<compile_context>
chip_gen: v7x
topology: tpu7x:2x2x1
jax: 0.10.2.dev20260603
libtpu: 0.0.44.dev20260713+nightly
codegen_flags: <defaults>
</compile_context>

<pallas_src>
import functools

import jax
import jax.numpy as jnp
from jax import lax
from jax.experimental import pallas as pl
from jax.experimental.pallas import tpu as pltpu
from jax.experimental.pallas import tpu_sc as plsc

_info = plsc.get_sparse_core_info()
_NC, _NS = _info.num_cores, _info.num_subcores
_NW = _NC * _NS

_CHUNK = 16


def _make_gather(vocab: int, hdim: int, batch: int):
    assert batch % (_NW * _CHUNK) == 0
    b_per_w = batch // _NW
    n_chunks = b_per_w // _CHUNK
    mesh = plsc.VectorSubcoreMesh(core_axis_name="c", subcore_axis_name="s")

    @functools.partial(
        pl.kernel,
        mesh=mesh,
        out_type=jax.ShapeDtypeStruct((hdim, batch), jnp.float32),
        scratch_types=[
            pltpu.VMEM((b_per_w,), jnp.int32),
            pltpu.VMEM((hdim, b_per_w), jnp.float32),
            pltpu.VMEM((2, _CHUNK, hdim, 128), jnp.float32),
            pltpu.SemaphoreType.DMA,
        ],
        compiler_params=pltpu.CompilerParams(needs_layout_passes=False),
    )
    def gather_kernel(table_hbm, idx_hbm, out_hbm, idx_v, cols_v, ring_v, sem):
        wid = lax.axis_index("s") * _NC + lax.axis_index("c")
        base = pl.multiple_of(wid * b_per_w, 128)
        pltpu.sync_copy(idx_hbm.at[pl.ds(base, b_per_w)], idx_v)

        row_iota = lax.iota(jnp.int32, hdim)

        def fire(c, slot):
            vs = idx_v[pl.ds(c * _CHUNK, _CHUNK)]
            for jj in range(_CHUNK):
                v = vs[jj]
                col0 = pl.multiple_of(
                    lax.shift_left(lax.shift_right_logical(v, 7), 7), 128
                )
                pltpu.async_copy(
                    table_hbm.at[:, pl.ds(col0, 128)],
                    ring_v.at[slot, jj],
                    sem,
                )

        def drain_extract(c, slot):
            vs = idx_v[pl.ds(c * _CHUNK, _CHUNK)]
            for jj in range(_CHUNK):
                pltpu.make_async_copy(
                    table_hbm.at[:, pl.ds(0, 128)],
                    ring_v.at[slot, jj],
                    sem,
                ).wait()
            for jj in range(_CHUNK):
                v = vs[jj]
                r = lax.bitwise_and(v, 127)
                col = plsc.load_gather(
                    ring_v.at[slot, jj],
                    [row_iota, jnp.full((hdim,), r, jnp.int32)],
                )
                plsc.store_scatter(
                    cols_v,
                    [row_iota, jnp.full((hdim,), c * _CHUNK + jj, jnp.int32)],
                    col,
                )

        fire(0, 0)

        def chunk_body(c, carry):
            slot = lax.rem(c, 2)

            @pl.when(c + 1 < n_chunks)
            def _():
                fire(c + 1, 1 - slot)

            drain_extract(c, slot)
            return carry

        lax.fori_loop(0, n_chunks, chunk_body, 0, unroll=False)
        pltpu.sync_copy(cols_v, out_hbm.at[:, pl.ds(base, b_per_w)])

    return gather_kernel


def kernel(ordered_embs, nodes):
    vocab, hdim = ordered_embs.shape
    batch = nodes.shape[0]
    idx = nodes.reshape(batch)
    out_t = _make_gather(vocab, hdim, batch)(ordered_embs.T, idx)
    return out_t.T

# --- scband reference (transcript-rebuilt; emitter-appended) ---
"""Pipeline reference for scband-pretrained-graph-encoder-11304353923236 (READ-ONLY COPY).

The authoritative reference and input builder live on the scoring server;
editing this copy changes nothing except your own understanding.
"""

import jax, jax.numpy as jnp
import numpy as np

VOCAB = 1000000
HDIM = 16
BATCH = 16384


def setup_inputs(seed: int = 0) -> dict:
    key = jax.random.key(seed)
    k1, k2 = jax.random.split(key)
    # ordered_embs: the pretrained embedding table materialized in __init__
    # (node_embeddings dict + index dict collapse to a dense [VOCAB, HDIM] table)
    ordered_embs = jax.random.normal(k1, (VOCAB, HDIM), dtype=jnp.float32)
    nodes = jax.random.randint(k2, (BATCH, 1), 0, VOCAB, dtype=jnp.int32)
    return {"ordered_embs": ordered_embs, "nodes": nodes}


def reference(ordered_embs, nodes):
    # forward: self.ordered_embs[nodes].squeeze(1)
    gathered = jnp.take(ordered_embs, nodes, axis=0)  # [B, 1, HDIM]
    return jnp.squeeze(gathered, axis=1)              # [B, HDIM]

if __name__ == "__main__":
    import jax
    _d = setup_inputs()
    print(jax.jit(kernel)(*tuple(_d.values())))

</pallas_src>

<mosaic_0001>
#map = affine_map<(d0, d1) -> (0, 0)>
#map1 = affine_map<(d0, d1) -> (0)>
module attributes {stable_mosaic.version = 14 : i64} {
  func.func @gather_kernel(%arg0: i32, %arg1: i32, %arg2: memref<16x1000000xf32, #tpu.memory_space<hbm>>, %arg3: memref<16384xi32, #tpu.memory_space<hbm>>, %arg4: memref<16x16384xf32, #tpu.memory_space<hbm>>, %arg5: memref<512xi32, #tpu.memory_space<vmem>>, %arg6: memref<16x512xf32, #tpu.memory_space<vmem>>, %arg7: memref<2x16x16x128xf32, #tpu.memory_space<vmem>>, %arg8: memref<!tpu.dma_semaphore, #tpu.memory_space<semaphore_mem>>) attributes {dimension_semantics = [#tpu.dimension_semantics<core_parallel>, #tpu.dimension_semantics<subcore_parallel>], iteration_bounds = array<i64: 2, 16>, scalar_prefetch = 0 : i64, scratch_operands = 4 : i64, tpu.core_type = #tpu.core_type<sc_vector_subcore>, window_params = [{transform_indices = #map}, {transform_indices = #map1}, {transform_indices = #map}]} {
    %mul3A = arith.constant 2 : i32
    %mul3A_0 = arith.muli %arg1, %mul3A : i32
    %add3A = arith.addi %mul3A_0, %arg0 : i32
    %mul3A_1 = arith.constant 512 : i32
    %mul3A_2 = arith.muli %add3A, %mul3A_1 : i32
    %multiple_of3A = tpu.assume_multiple %mul3A_2, 128 : i32
    "tpu.region"() ({
      %run_scoped3A = tpu.sem_alloc : memref<!tpu.dma_semaphore, #tpu.memory_space<semaphore_mem>>
      %dma_start3A_340 = tpu.memref_slice %arg3[%multiple_of3A] : memref<16384xi32, #tpu.memory_space<hbm>> -> memref<512xi32, #tpu.memory_space<hbm>>
      %dma_start3A_341 = tpu.memref_slice %arg3[%multiple_of3A] : memref<16384xi32, #tpu.memory_space<hbm>> -> memref<512xi32, #tpu.memory_space<hbm>>
      tpu.enqueue_dma source(%dma_start3A_341 : memref<512xi32, #tpu.memory_space<hbm>>) target(%arg5 : memref<512xi32, #tpu.memory_space<vmem>>) target_semaphore(%run_scoped3A : memref<!tpu.dma_semaphore, #tpu.memory_space<semaphore_mem>>)
      %dma_wait3A = tpu.memref_slice %arg3[%multiple_of3A] : memref<16384xi32, #tpu.memory_space<hbm>> -> memref<512xi32, #tpu.memory_space<hbm>>
      %dma_wait3A_342 = tpu.memref_slice %arg3[%multiple_of3A] : memref<16384xi32, #tpu.memory_space<hbm>> -> memref<512xi32, #tpu.memory_space<hbm>>
      tpu.wait_dma2 semaphore(%run_scoped3A : memref<!tpu.dma_semaphore, #tpu.memory_space<semaphore_mem>>) src(%dma_wait3A_342 : memref<512xi32, #tpu.memory_space<hbm>>) dst(%arg5 : memref<512xi32, #tpu.memory_space<vmem>>)
      tpu.yield
    }) : () -> ()
    %iota3A = tpu.iota {dimensions = array<i32: 0>} : vector<16xi32>
    %get3A = arith.constant 0 : index
    %get3A_3 = tpu.vector_load %arg5[%get3A] {strides = array<i32>} : memref<512xi32, #tpu.memory_space<vmem>>, vector<16xi32>,
    %slice3A = vector.extract_strided_slice %get3A_3 {offsets = [0], sizes = [1], strides = [1]} : vector<16xi32> to vector<1xi32>
    %squeeze3A = vector.extract %slice3A[0] : i32 from vector<1xi32>
    %shift_right_logical3A = arith.constant 7 : i32
    %shift_right_logical3A_4 = arith.shrui %squeeze3A, %shift_right_logical3A : i32
    %shift_left3A = arith.constant 7 : i32
    %shift_left3A_5 = arith.shli %shift_right_logical3A_4, %shift_left3A : i32
    %multiple_of3A_6 = tpu.assume_multiple %shift_left3A_5, 128 : i32
    %dma_start3A = arith.constant 0 : i32
    %dma_start3A_7 = arith.constant 0 : i32
    %dma_start3A_8 = arith.constant 0 : i32
    %dma_start3A_9 = arith.constant 0 : i32
    %dma_start3A_10 = tpu.memref_slice %arg7[%dma_start3A, %dma_start3A_7, %dma_start3A_8, %dma_start3A_9] : memref<2x16x16x128xf32, #tpu.memory_space<vmem>> -> memref<1x1x16x128xf32, #tpu.memory_space<vmem>>
    %dma_start3A_11 = tpu.memref_squeeze %dma_start3A_10 : memref<1x1x16x128xf32, #tpu.memory_space<vmem>> -> memref<16x128xf32, #tpu.memory_space<vmem>>
    %dma_start3A_12 = arith.constant 0 : i32
    %dma_start3A_13 = tpu.memref_slice %arg2[%dma_start3A_12, %multiple_of3A_6] : memref<16x1000000xf32, #tpu.memory_space<hbm>> -> memref<16x128xf32, #tpu.memory_space<hbm>>
    %dma_start3A_14 = arith.constant 0 : i32
    %dma_start3A_15 = arith.constant 0 : i32
    %dma_start3A_16 = tpu.memref_slice %arg7[%dma_start3A, %dma_start3A_7, %dma_start3A_14, %dma_start3A_15] : memref<2x16x16x128xf32, #tpu.memory_space<vmem>> -> memref<1x1x16x128xf32, #tpu.memory_space<vmem>>
    %dma_start3A_17 = tpu.memref_squeeze %dma_start3A_16 : memref<1x1x16x128xf32, #tpu.memory_space<vmem>> -> memref<16x128xf32, #tpu.memory_space<vmem>>
    %dma_start3A_18 = arith.constant 0 : i32
    %dma_start3A_19 = tpu.memref_slice %arg2[%dma_start3A_18, %multiple_of3A_6] : memref<16x1000000xf32, #tpu.memory_space<hbm>> -> memref<16x128xf32, #tpu.memory_space<hbm>>
    tpu.enqueue_dma source(%dma_start3A_19 : memref<16x128xf32, #tpu.memory_space<hbm>>) target(%dma_start3A_17 : memref<16x128xf32, #tpu.memory_space<vmem>>) target_semaphore(%arg8 : memref<!tpu.dma_semaphore, #tpu.memory_space<semaphore_mem>>)
    %slice3A_20 = vector.extract_strided_slice %get3A_3 {offsets = [1], sizes = [1], strides = [1]} : vector<16xi32> to vector<1xi32>
    %squeeze3A_21 = vector.extract %slice3A_20[0] : i32 from vector<1xi32>
    %shift_right_logical3A_22 = arith.constant 7 : i32
    %shift_right_logical3A_23 = arith.shrui %squeeze3A_21, %shift_right_logical3A_22 : i32
    %shift_left3A_24 = arith.constant 7 : i32
    %shift_left3A_25 = arith.shli %shift_right_logical3A_23, %shift_left3A_24 : i32
    %multiple_of3A_26 = tpu.assume_multiple %shift_left3A_25, 128 : i32
    %dma_start3A_27 = arith.constant 0 : i32
    %dma_start3A_28 = arith.constant 1 : i32
    %dma_start3A_29 = arith.constant 0 : i32
    %dma_start3A_30 = arith.constant 0 : i32
    %dma_start3A_31 = tpu.memref_slice %arg7[%dma_start3A_27, %dma_start3A_28, %dma_start3A_29, %dma_start3A_30] : memref<2x16x16x128xf32, #tpu.memory_space<vmem>> -> memref<1x1x16x128xf32, #tpu.memory_space<vmem>>
    %dma_start3A_32 = tpu.memref_squeeze %dma_start3A_31 : memref<1x1x16x128xf32, #tpu.memory_space<vmem>> -> memref<16x128xf32, #tpu.memory_space<vmem>>
    %dma_start3A_33 = arith.constant 0 : i32
    %dma_start3A_34 = tpu.memref_slice %arg2[%dma_start3A_33, %multiple_of3A_26] : memref<16x1000000xf32, #tpu.memory_space<hbm>> -> memref<16x128xf32, #tpu.memory_space<hbm>>
    %dma_start3A_35 = arith.constant 0 : i32
    %dma_start3A_36 = arith.constant 0 : i32
    %dma_start3A_37 = tpu.memref_slice %arg7[%dma_start3A_27, %dma_start3A_28, %dma_start3A_35, %dma_start3A_36] : memref<2x16x16x128xf32, #tpu.memory_space<vmem>> -> memref<1x1x16x128xf32, #tpu.memory_space<vmem>>
    %dma_start3A_38 = tpu.memref_squeeze %dma_start3A_37 : memref<1x1x16x128xf32, #tpu.memory_space<vmem>> -> memref<16x128xf32, #tpu.memory_space<vmem>>
    %dma_start3A_39 = arith.constant 0 : i32
    %dma_start3A_40 = tpu.memref_slice %arg2[%dma_start3A_39, %multiple_of3A_26] : memref<16x1000000xf32, #tpu.memory_space<hbm>> -> memref<16x128xf32, #tpu.memory_space<hbm>>
    tpu.enqueue_dma source(%dma_start3A_40 : memref<16x128xf32, #tpu.memory_space<hbm>>) target(%dma_start3A_38 : memref<16x128xf32, #tpu.memory_space<vmem>>) target_semaphore(%arg8 : memref<!tpu.dma_semaphore, #tpu.memory_space<semaphore_mem>>)
    %slice3A_41 = vector.extract_strided_slice %get3A_3 {offsets = [2], sizes = [1], strides = [1]} : vector<16xi32> to vector<1xi32>
    %squeeze3A_42 = vector.extract %slice3A_41[0] : i32 from vector<1xi32>
    %shift_right_logical3A_43 = arith.constant 7 : i32
    %shift_right_logical3A_44 = arith.shrui %squeeze3A_42, %shift_right_logical3A_43 : i32
    %shift_left3A_45 = arith.constant 7 : i32
    %shift_left3A_46 = arith.shli %shift_right_logical3A_44, %shift_left3A_45 : i32
    %multiple_of3A_47 = tpu.assume_multiple %shift_left3A_46, 128 : i32
    %dma_start3A_48 = arith.constant 0 : i32
    %dma_start3A_49 = arith.constant 2 : i32
    %dma_start3A_50 = arith.constant 0 : i32
    %dma_start3A_51 = arith.constant 0 : i32
    %dma_start3A_52 = tpu.memref_slice %arg7[%dma_start3A_48, %dma_start3A_49, %dma_start3A_50, %dma_start3A_51] : memref<2x16x16x128xf32, #tpu.memory_space<vmem>> -> memref<1x1x16x128xf32, #tpu.memory_space<vmem>>
    %dma_start3A_53 = tpu.memref_squeeze %dma_start3A_52 : memref<1x1x16x128xf32, #tpu.memory_space<vmem>> -> memref<16x128xf32, #tpu.memory_space<vmem>>
    %dma_start3A_54 = arith.constant 0 : i32
    %dma_start3A_55 = tpu.memref_slice %arg2[%dma_start3A_54, %multiple_of3A_47] : memref<16x1000000xf32, #tpu.memory_space<hbm>> -> memref<16x128xf32, #tpu.memory_space<hbm>>
    %dma_start3A_56 = arith.constant 0 : i32
    %dma_start3A_57 = arith.constant 0 : i32
    %dma_start3A_58 = tpu.memref_slice %arg7[%dma_start3A_48, %dma_start3A_49, %dma_start3A_56, %dma_start3A_57] : memref<2x16x16x128xf32, #tpu.memory_space<vmem>> -> memref<1x1x16x128xf32, #tpu.memory_space<vmem>>
    %dma_start3A_59 = tpu.memref_squeeze %dma_start3A_58 : memref<1x1x16x128xf32, #tpu.memory_space<vmem>> -> memref<16x128xf32, #tpu.memory_space<vmem>>
    %dma_start3A_60 = arith.constant 0 : i32
    %dma_start3A_61 = tpu.memref_slice %arg2[%dma_start3A_60, %multiple_of3A_47] : memref<16x1000000xf32, #tpu.memory_space<hbm>> -> memref<16x128xf32, #tpu.memory_space<hbm>>
    tpu.enqueue_dma source(%dma_start3A_61 : memref<16x128xf32, #tpu.memory_space<hbm>>) target(%dma_start3A_59 : memref<16x128xf32, #tpu.memory_space<vmem>>) target_semaphore(%arg8 : memref<!tpu.dma_semaphore, #tpu.memory_space<semaphore_mem>>)
    %slice3A_62 = vector.extract_strided_slice %get3A_3 {offsets = [3], sizes = [1], strides = [1]} : vector<16xi32> to vector<1xi32>
    %squeeze3A_63 = vector.extract %slice3A_62[0] : i32 from vector<1xi32>
    %shift_right_logical3A_64 = arith.constant 7 : i32
    %shift_right_logical3A_65 = arith.shrui %squeeze3A_63, %shift_right_logical3A_64 : i32
    %shift_left3A_66 = arith.constant 7 : i32
    %shift_left3A_67 = arith.shli %shift_right_logical3A_65, %shift_left3A_66 : i32
    %multiple_of3A_68 = tpu.assume_multiple %shift_left3A_67, 128 : i32
    %dma_start3A_69 = arith.constant 0 : i32
    %dma_start3A_70 = arith.constant 3 : i32
    %dma_start3A_71 = arith.constant 0 : i32
    %dma_start3A_72 = arith.constant 0 : i32
    %dma_start3A_73 = tpu.memref_slice %arg7[%dma_start3A_69, %dma_start3A_70, %dma_start3A_71, %dma_start3A_72] : memref<2x16x16x128xf32, #tpu.memory_space<vmem>> -> memref<1x1x16x128xf32, #tpu.memory_space<vmem>>
    %dma_start3A_74 = tpu.memref_squeeze %dma_start3A_73 : memref<1x1x16x128xf32, #tpu.memory_space<vmem>> -> memref<16x128xf32, #tpu.memory_space<vmem>>
    %dma_start3A_75 = arith.constant 0 : i32
    %dma_start3A_76 = tpu.memref_slice %arg2[%dma_start3A_75, %multiple_of3A_68] : memref<16x1000000xf32, #tpu.memory_space<hbm>> -> memref<16x128xf32, #tpu.memory_space<hbm>>
    %dma_start3A_77 = arith.constant 0 : i32
    %dma_start3A_78 = arith.constant 0 : i32
    %dma_start3A_79 = tpu.memref_slice %arg7[%dma_start3A_69, %dma_start3A_70, %dma_start3A_77, %dma_start3A_78] : memref<2x16x16x128xf32, #tpu.memory_space<vmem>> -> memref<1x1x16x128xf32, #tpu.memory_space<vmem>>
    %dma_start3A_80 = tpu.memref_squeeze %dma_start3A_79 : memref<1x1x16x128xf32, #tpu.memory_space<vmem>> -> memref<16x128xf32, #tpu.memory_space<vmem>>
    %dma_start3A_81 = arith.constant 0 : i32
    %dma_start3A_82 = tpu.memref_slice %arg2[%dma_start3A_81, %multiple_of3A_68] : memref<16x1000000xf32, #tpu.memory_space<hbm>> -> memref<16x128xf32, #tpu.memory_space<hbm>>
    tpu.enqueue_dma source(%dma_start3A_82 : memref<16x128xf32, #tpu.memory_space<hbm>>) target(%dma_start3A_80 : memref<16x128xf32, #tpu.memory_space<vmem>>) target_semaphore(%arg8 : memref<!tpu.dma_semaphore, #tpu.memory_space<semaphore_mem>>)
    %slice3A_83 = vector.extract_strided_slice %get3A_3 {offsets = [4], sizes = [1], strides = [1]} : vector<16xi32> to vector<1xi32>
    %squeeze3A_84 = vector.extract %slice3A_83[0] : i32 from vector<1xi32>
    %shift_right_logical3A_85 = arith.constant 7 : i32
    %shift_right_logical3A_86 = arith.shrui %squeeze3A_84, %shift_right_logical3A_85 : i32
    %shift_left3A_87 = arith.constant 7 : i32
    %shift_left3A_88 = arith.shli %shift_right_logical3A_86, %shift_left3A_87 : i32
    %multiple_of3A_89 = tpu.assume_multiple %shift_left3A_88, 128 : i32
    %dma_start3A_90 = arith.constant 0 : i32
    %dma_start3A_91 = arith.constant 4 : i32
    %dma_start3A_92 = arith.constant 0 : i32
    %dma_start3A_93 = arith.constant 0 : i32
    %dma_start3A_94 = tpu.memref_slice %arg7[%dma_start3A_90, %dma_start3A_91, %dma_start3A_92, %dma_start3A_93] : memref<2x16x16x128xf32, #tpu.memory_space<vmem>> -> memref<1x1x16x128xf32, #tpu.memory_space<vmem>>
    %dma_start3A_95 = tpu.memref_squeeze %dma_start3A_94 : memref<1x1x16x128xf32, #tpu.memory_space<vmem>> -> memref<16x128xf32, #tpu.memory_space<vmem>>
    %dma_start3A_96 = arith.constant 0 : i32
    %dma_start3A_97 = tpu.memref_slice %arg2[%dma_start3A_96, %multiple_of3A_89] : memref<16x1000000xf32, #tpu.memory_space<hbm>> -> memref<16x128xf32, #tpu.memory_space<hbm>>
    %dma_start3A_98 = arith.constant 0 : i32
    %dma_start3A_99 = arith.constant 0 : i32
    %dma_start3A_100 = tpu.memref_slice %arg7[%dma_start3A_90, %dma_start3A_91, %dma_start3A_98, %dma_start3A_99] : memref<2x16x16x128xf32, #tpu.memory_space<vmem>> -> memref<1x1x16x128xf32, #tpu.memory_space<vmem>>
    %dma_start3A_101 = tpu.memref_squeeze %dma_start3A_100 : memref<1x1x16x128xf32, #tpu.memory_space<vmem>> -> memref<16x128xf32, #tpu.memory_space<vmem>>
    %dma_start3A_102 = arith.constant 0 : i32
    %dma_start3A_103 = tpu.memref_slice %arg2[%dma_start3A_102, %multiple_of3A_89] : memref<16x1000000xf32, #tpu.memory_space<hbm>> -> memref<16x128xf32, #tpu.memory_space<hbm>>
    tpu.enqueue_dma source(%dma_start3A_103 : memref<16x128xf32, #tpu.memory_space<hbm>>) target(%dma_start3A_101 : memref<16x128xf32, #tpu.memory_space<vmem>>) target_semaphore(%arg8 : memref<!tpu.dma_semaphore, #tpu.memory_space<semaphore_mem>>)
    %slice3A_104 = vector.extract_strided_slice %get3A_3 {offsets = [5], sizes = [1], strides = [1]} : vector<16xi32> to vector<1xi32>
    %squeeze3A_105 = vector.extract %slice3A_104[0] : i32 from vector<1xi32>
    %shift_right_logical3A_106 = arith.constant 7 : i32
    %shift_right_logical3A_107 = arith.shrui %squeeze3A_105, %shift_right_logical3A_106 : i32
    %shift_left3A_108 = arith.constant 7 : i32
    %shift_left3A_109 = arith.shli %shift_right_logical3A_107, %shift_left3A_108 : i32
    %multiple_of3A_110 = tpu.assume_multiple %shift_left3A_109, 128 : i32
    %dma_start3A_111 = arith.constant 0 : i32
    %dma_start3A_112 = arith.constant 5 : i32
    %dma_start3A_113 = arith.constant 0 : i32
    %dma_start3A_114 = arith.constant 0 : i32
    %dma_start3A_115 = tpu.memref_slice %arg7[%dma_start3A_111, %dma_start3A_112, %dma_start3A_113, %dma_start3A_114] : memref<2x16x16x128xf32, #tpu.memory_space<vmem>> -> memref<1x1x16x128xf32, #tpu.memory_space<vmem>>
    %dma_start3A_116 = tpu.memref_squeeze %dma_start3A_115 : memref<1x1x16x128xf32, #tpu.memory_space<vmem>> -> memref<16x128xf32, #tpu.memory_space<vmem>>
    %dma_start3A_117 = arith.constant 0 : i32
    %dma_start3A_118 = tpu.memref_slice %arg2[%dma_start3A_117, %multiple_of3A_110] : memref<16x1000000xf32, #tpu.memory_space<hbm>> -> memref<16x128xf32, #tpu.memory_space<hbm>>
    %dma_start3A_119 = arith.constant 0 : i32
    %dma_start3A_120 = arith.constant 0 : i32
    %dma_start3A_121 = tpu.memref_slice %arg7[%dma_start3A_111, %dma_start3A_112, %dma_start3A_119, %dma_start3A_120] : memref<2x16x16x128xf32, #tpu.memory_space<vmem>> -> memref<1x1x16x128xf32, #tpu.memory_space<vmem>>
    %dma_start3A_122 = tpu.memref_squeeze %dma_start3A_121 : memref<1x1x16x128xf32, #tpu.memory_space<vmem>> -> memref<16x128xf32, #tpu.memory_space<vmem>>
    %dma_start3A_123 = arith.constant 0 : i32
    %dma_start3A_124 = tpu.memref_slice %arg2[%dma_start3A_123, %multiple_of3A_110] : memref<16x1000000xf32, #tpu.memory_space<hbm>> -> memref<16x128xf32, #tpu.memory_space<hbm>>
    tpu.enqueue_dma source(%dma_start3A_124 : memref<16x128xf32, #tpu.memory_space<hbm>>) target(%dma_start3A_122 : memref<16x128xf32, #tpu.memory_space<vmem>>) target_semaphore(%arg8 : memref<!tpu.dma_semaphore, #tpu.memory_space<semaphore_mem>>)
    %slice3A_125 = vector.extract_strided_slice %get3A_3 {offsets = [6], sizes = [1], strides = [1]} : vector<16xi32> to vector<1xi32>
    %squeeze3A_126 = vector.extract %slice3A_125[0] : i32 from vector<1xi32>
    %shift_right_logical3A_127 = arith.constant 7 : i32
    %shift_right_logical3A_128 = arith.shrui %squeeze3A_126, %shift_right_logical3A_127 : i32
    %shift_left3A_129 = arith.constant 7 : i32
    %shift_left3A_130 = arith.shli %shift_right_logical3A_128, %shift_left3A_129 : i32
    %multiple_of3A_131 = tpu.assume_multiple %shift_left3A_130, 128 : i32
    %dma_start3A_132 = arith.constant 0 : i32
    %dma_start3A_133 = arith.constant 6 : i32
    %dma_start3A_134 = arith.constant 0 : i32
    %dma_start3A_135 = arith.constant 0 : i32
    %dma_start3A_136 = tpu.memref_slice %arg7[%dma_start3A_132, %dma_start3A_133, %dma_start3A_134, %dma_start3A_135] : memref<2x16x16x128xf32, #tpu.memory_space<vmem>> -> memref<1x1x16x128xf32, #tpu.memory_space<vmem>>
    %dma_start3A_137 = tpu.memref_squeeze %dma_start3A_136 : memref<1x1x16x128xf32, #tpu.memory_space<vmem>> -> memref<16x128xf32, #tpu.memory_space<vmem>>
    %dma_start3A_138 = arith.constant 0 : i32
    %dma_start3A_139 = tpu.memref_slice %arg2[%dma_start3A_138, %multiple_of3A_131] : memref<16x1000000xf32, #tpu.memory_space<hbm>> -> memref<16x128xf32, #tpu.memory_space<hbm>>
    %dma_start3A_140 = arith.constant 0 : i32
    %dma_start3A_141 = arith.constant 0 : i32
    %dma_start3A_142 = tpu.memref_slice %arg7[%dma_start3A_132, %dma_start3A_133, %dma_start3A_140, %dma_start3A_141] : memref<2x16x16x128xf32, #tpu.memory_space<vmem>> -> memref<1x1x16x128xf32, #tpu.memory_space<vmem>>
    %dma_start3A_143 = tpu.memref_squeeze %dma_start3A_142 : memref<1x1x16x128xf32, #tpu.memory_space<vmem>> -> memref<16x128xf32, #tpu.memory_space<vmem>>
    %dma_start3A_144 = arith.constant 0 : i32
    %dma_start3A_145 = tpu.memref_slice %arg2[%dma_start3A_144, %multiple_of3A_131] : memref<16x1000000xf32, #tpu.memory_space<hbm>> -> memref<16x128xf32, #tpu.memory_space<hbm>>
    tpu.enqueue_dma source(%dma_start3A_145 : memref<16x128xf32, #tpu.memory_space<hbm>>) target(%dma_start3A_143 : memref<16x128xf32, #tpu.memory_space<vmem>>) target_semaphore(%arg8 : memref<!tpu.dma_semaphore, #tpu.memory_space<semaphore_mem>>)
    %slice3A_146 = vector.extract_strided_slice %get3A_3 {offsets = [7], sizes = [1], strides = [1]} : vector<16xi32> to vector<1xi32>
    %squeeze3A_147 = vector.extract %slice3A_146[0] : i32 from vector<1xi32>
    %shift_right_logical3A_148 = arith.constant 7 : i32
    %shift_right_logical3A_149 = arith.shrui %squeeze3A_147, %shift_right_logical3A_148 : i32
    %shift_left3A_150 = arith.constant 7 : i32
    %shift_left3A_151 = arith.shli %shift_right_logical3A_149, %shift_left3A_150 : i32
    %multiple_of3A_152 = tpu.assume_multiple %shift_left3A_151, 128 : i32
    %dma_start3A_153 = arith.constant 0 : i32
    %dma_start3A_154 = arith.constant 7 : i32
    %dma_start3A_155 = arith.constant 0 : i32
    %dma_start3A_156 = arith.constant 0 : i32
    %dma_start3A_157 = tpu.memref_slice %arg7[%dma_start3A_153, %dma_start3A_154, %dma_start3A_155, %dma_start3A_156] : memref<2x16x16x128xf32, #tpu.memory_space<vmem>> -> memref<1x1x16x128xf32, #tpu.memory_space<vmem>>
    %dma_start3A_158 = tpu.memref_squeeze %dma_start3A_157 : memref<1x1x16x128xf32, #tpu.memory_space<vmem>> -> memref<16x128xf32, #tpu.memory_space<vmem>>
    %dma_start3A_159 = arith.constant 0 : i32
    %dma_start3A_160 = tpu.memref_slice %arg2[%dma_start3A_159, %multiple_of3A_152] : memref<16x1000000xf32, #tpu.memory_space<hbm>> -> memref<16x128xf32, #tpu.memory_space<hbm>>
    %dma_start3A_161 = arith.constant 0 : i32
    %dma_start3A_162 = arith.constant 0 : i32
    %dma_start3A_163 = tpu.memref_slice %arg7[%dma_start3A_153, %dma_start3A_154, %dma_start3A_161, %dma_start3A_162] : memref<2x16x16x128xf32, #tpu.memory_space<vmem>> -> memref<1x1x16x128xf32, #tpu.memory_space<vmem>>
    %dma_start3A_164 = tpu.memref_squeeze %dma_start3A_163 : memref<1x1x16x128xf32, #tpu.memory_space<vmem>> -> memref<16x128xf32, #tpu.memory_space<vmem>>
    %dma_start3A_165 = arith.constant 0 : i32
    %dma_start3A_166 = tpu.memref_slice %arg2[%dma_start3A_165, %multiple_of3A_152] : memref<16x1000000xf32, #tpu.memory_space<hbm>> -> memref<16x128xf32, #tpu.memory_space<hbm>>
    tpu.enqueue_dma source(%dma_start3A_166 : memref<16x128xf32, #tpu.memory_space<hbm>>) target(%dma_start3A_164 : memref<16x128xf32, #tpu.memory_space<vmem>>) target_semaphore(%arg8 : memref<!tpu.dma_semaphore, #tpu.memory_space<semaphore_mem>>)
    %slice3A_167 = vector.extract_strided_slice %get3A_3 {offsets = [8], sizes = [1], strides = [1]} : vector<16xi32> to vector<1xi32>
    %squeeze3A_168 = vector.extract %slice3A_167[0] : i32 from vector<1xi32>
    %shift_right_logical3A_169 = arith.constant 7 : i32
    %shift_right_logical3A_170 = arith.shrui %squeeze3A_168, %shift_right_logical3A_169 : i32
    %shift_left3A_171 = arith.constant 7 : i32
    %shift_left3A_172 = arith.shli %shift_right_logical3A_170, %shift_left3A_171 : i32
    %multiple_of3A_173 = tpu.assume_multiple %shift_left3A_172, 128 : i32
    %dma_start3A_174 = arith.constant 0 : i32
    %dma_start3A_175 = arith.constant 8 : i32
    %dma_start3A_176 = arith.constant 0 : i32
    %dma_start3A_177 = arith.constant 0 : i32
    %dma_start3A_178 = tpu.memref_slice %arg7[%dma_start3A_174, %dma_start3A_175, %dma_start3A_176, %dma_start3A_177] : memref<2x16x16x128xf32, #tpu.memory_space<vmem>> -> memref<1x1x16x128xf32, #tpu.memory_space<vmem>>
    %dma_start3A_179 = tpu.memref_squeeze %dma_start3A_178 : memref<1x1x16x128xf32, #tpu.memory_space<vmem>> -> memref<16x128xf32, #tpu.memory_space<vmem>>
    %dma_start3A_180 = arith.constant 0 : i32
    %dma_start3A_181 = tpu.memref_slice %arg2[%dma_start3A_180, %multiple_of3A_173] : memref<16x1000000xf32, #tpu.memory_space<hbm>> -> memref<16x128xf32, #tpu.memory_space<hbm>>
    %dma_start3A_182 = arith.constant 0 : i32
    %dma_start3A_183 = arith.constant 0 : i32
    %dma_start3A_184 = tpu.memref_slice %arg7[%dma_start3A_174, %dma_start3A_175, %dma_start3A_182, %dma_start3A_183] : memref<2x16x16x128xf32, #tpu.memory_space<vmem>> -> memref<1x1x16x128xf32, #tpu.memory_space<vmem>>
    %dma_start3A_185 = tpu.memref_squeeze %dma_start3A_184 : memref<1x1x16x128xf32, #tpu.memory_space<vmem>> -> memref<16x128xf32, #tpu.memory_space<vmem>>
    %dma_start3A_186 = arith.constant 0 : i32
    %dma_start3A_187 = tpu.memref_slice %arg2[%dma_start3A_186, %multiple_of3A_173] : memref<16x1000000xf32, #tpu.memory_space<hbm>> -> memref<16x128xf32, #tpu.memory_space<hbm>>
    tpu.enqueue_dma source(%dma_start3A_187 : memref<16x128xf32, #tpu.memory_space<hbm>>) target(%dma_start3A_185 : memref<16x128xf32, #tpu.memory_space<vmem>>) target_semaphore(%arg8 : memref<!tpu.dma_semaphore, #tpu.memory_space<semaphore_mem>>)
    %slice3A_188 = vector.extract_strided_slice %get3A_3 {offsets = [9], sizes = [1], strides = [1]} : vector<16xi32> to vector<1xi32>
    %squeeze3A_189 = vector.extract %slice3A_188[0] : i32 from vector<1xi32>
    %shift_right_logical3A_190 = arith.constant 7 : i32
    %shift_right_logical3A_191 = arith.shrui %squeeze3A_189, %shift_right_logical3A_190 : i32
    %shift_left3A_192 = arith.constant 7 : i32
    %shift_left3A_193 = arith.shli %shift_right_logical3A_191, %shift_left3A_192 : i32
    %multiple_of3A_194 = tpu.assume_multiple %shift_left3A_193, 128 : i32
    %dma_start3A_195 = arith.constant 0 : i32
    %dma_start3A_196 = arith.constant 9 : i32
    %dma_start3A_197 = arith.constant 0 : i32
    %dma_start3A_198 = arith.constant 0 : i32
    %dma_start3A_199 = tpu.memref_slice %arg7[%dma_start3A_195, %dma_start3A_196, %dma_start3A_197, %dma_start3A_198] : memref<2x16x16x128xf32, #tpu.memory_space<vmem>> -> memref<1x1x16x128xf32, #tpu.memory_space<vmem>>
    %dma_start3A_200 = tpu.memref_squeeze %dma_start3A_199 : memref<1x1x16x128xf32, #tpu.memory_space<vmem>> -> memref<16x128xf32, #tpu.memory_space<vmem>>
    %dma_start3A_201 = arith.constant 0 : i32
    %dma_start3A_202 = tpu.memref_slice %arg2[%dma_start3A_201, %multiple_of3A_194] : memref<16x1000000xf32, #tpu.memory_space<hbm>> -> memref<16x128xf32, #tpu.memory_space<hbm>>
    %dma_start3A_203 = arith.constant 0 : i32
    %dma_start3A_204 = arith.constant 0 : i32
    %dma_start3A_205 = tpu.memref_slice %arg7[%dma_start3A_195, %dma_start3A_196, %dma_start3A_203, %dma_start3A_204] : memref<2x16x16x128xf32, #tpu.memory_space<vmem>> -> memref<1x1x16x128xf32, #tpu.memory_space<vmem>>
    %dma_start3A_206 = tpu.memref_squeeze %dma_start3A_205 : memref<1x1x16x128xf32, #tpu.memory_space<vmem>> -> memref<16x128xf32, #tpu.memory_space<vmem>>
    %dma_start3A_207 = arith.constant 0 : i32
    %dma_start3A_208 = tpu.memref_slice %arg2[%dma_start3A_207, %multiple_of3A_194] : memref<16x1000000xf32, #tpu.memory_space<hbm>> -> memref<16x128xf32, #tpu.memory_space<hbm>>
    tpu.enqueue_dma source(%dma_start3A_208 : memref<16x128xf32, #tpu.memory_space<hbm>>) target(%dma_start3A_206 : memref<16x128xf32, #tpu.memory_space<vmem>>) target_semaphore(%arg8 : memref<!tpu.dma_semaphore, #tpu.memory_space<semaphore_mem>>)
    %slice3A_209 = vector.extract_strided_slice %get3A_3 {offsets = [10], sizes = [1], strides = [1]} : vector<16xi32> to vector<1xi32>
    %squeeze3A_210 = vector.extract %slice3A_209[0] : i32 from vector<1xi32>
    %shift_right_logical3A_211 = arith.constant 7 : i32
    %shift_right_logical3A_212 = arith.shrui %squeeze3A_210, %shift_right_logical3A_211 : i32
    %shift_left3A_213 = arith.constant 7 : i32
    %shift_left3A_214 = arith.shli %shift_right_logical3A_212, %shift_left3A_213 : i32
    %multiple_of3A_215 = tpu.assume_multiple %shift_left3A_214, 128 : i32
    %dma_start3A_216 = arith.constant 0 : i32
    %dma_start3A_217 = arith.constant 10 : i32
    %dma_start3A_218 = arith.constant 0 : i32
    %dma_start3A_219 = arith.constant 0 : i32
    %dma_start3A_220 = tpu.memref_slice %arg7[%dma_start3A_216, %dma_start3A_217, %dma_start3A_218, %dma_start3A_219] : memref<2x16x16x128xf32, #tpu.memory_space<vmem>> -> memref<1x1x16x128xf32, #tpu.memory_space<vmem>>
    %dma_start3A_221 = tpu.memref_squeeze %dma_start3A_220 : memref<1x1x16x128xf32, #tpu.memory_space<vmem>> -> memref<16x128xf32, #tpu.memory_space<vmem>>
    %dma_start3A_222 = arith.constant 0 : i32
    %dma_start3A_223 = tpu.memref_slice %arg2[%dma_start3A_222, %multiple_of3A_215] : memref<16x1000000xf32, #tpu.memory_space<hbm>> -> memref<16x128xf32, #tpu.memory_space<hbm>>
    %dma_start3A_224 = arith.constant 0 : i32
    %dma_start3A_225 = arith.constant 0 : i32
    %dma_start3A_226 = tpu.memref_slice %arg7[%dma_start3A_216, %dma_start3A_217, %dma_start3A_224, %dma_start3A_225] : memref<2x16x16x128xf32, #tpu.memory_space<vmem>> -> memref<1x1x16x128xf32, #tpu.memory_space<vmem>>
    %dma_start3A_227 = tpu.memref_squeeze %dma_start3A_226 : memref<1x1x16x128xf32, #tpu.memory_space<vmem>> -> memref<16x128xf32, #tpu.memory_space<vmem>>
    %dma_start3A_228 = arith.constant 0 : i32
    %dma_start3A_229 = tpu.memref_slice %arg2[%dma_start3A_228, %multiple_of3A_215] : memref<16x1000000xf32, #tpu.memory_space<hbm>> -> memref<16x128xf32, #tpu.memory_space<hbm>>
    tpu.enqueue_dma source(%dma_start3A_229 : memref<16x128xf32, #tpu.memory_space<hbm>>) target(%dma_start3A_227 : memref<16x128xf32, #tpu.memory_space<vmem>>) target_semaphore(%arg8 : memref<!tpu.dma_semaphore, #tpu.memory_space<semaphore_mem>>)
    %slice3A_230 = vector.extract_strided_slice %get3A_3 {offsets = [11], sizes = [1], strides = [1]} : vector<16xi32> to vector<1xi32>
    %squeeze3A_231 = vector.extract %slice3A_230[0] : i32 from vector<1xi32>
    %shift_right_logical3A_232 = arith.constant 7 : i32
    %shift_right_logical3A_233 = arith.shrui %squeeze3A_231, %shift_right_logical3A_232 : i32
    %shift_left3A_234 = arith.constant 7 : i32
    %shift_left3A_235 = arith.shli %shift_right_logical3A_233, %shift_left3A_234 : i32
    %multiple_of3A_236 = tpu.assume_multiple %shift_left3A_235, 128 : i32
    %dma_start3A_237 = arith.constant 0 : i32
    %dma_start3A_238 = arith.constant 11 : i32
    %dma_start3A_239 = arith.constant 0 : i32
    %dma_start3A_240 = arith.constant 0 : i32
    %dma_start3A_241 = tpu.memref_slice %arg7[%dma_start3A_237, %dma_start3A_238, %dma_start3A_239, %dma_start3A_240] : memref<2x16x16x128xf32, #tpu.memory_space<vmem>> -> memref<1x1x16x128xf32, #tpu.memory_space<vmem>>
    %dma_start3A_242 = tpu.memref_squeeze %dma_start3A_241 : memref<1x1x16x128xf32, #tpu.memory_space<vmem>> -> memref<16x128xf32, #tpu.memory_space<vmem>>
    %dma_start3A_243 = arith.constant 0 : i32
    %dma_start3A_244 = tpu.memref_slice %arg2[%dma_start3A_243, %multiple_of3A_236] : memref<16x1000000xf32, #tpu.memory_space<hbm>> -> memref<16x128xf32, #tpu.memory_space<hbm>>
    %dma_start3A_245 = arith.constant 0 : i32
    %dma_start3A_246 = arith.constant 0 : i32
    %dma_start3A_247 = tpu.memref_slice %arg7[%dma_start3A_237, %dma_start3A_238, %dma_start3A_245, %dma_start3A_246] : memref<2x16x16x128xf32, #tpu.memory_space<vmem>> -> memref<1x1x16x128xf32, #tpu.memory_space<vmem>>
    %dma_start3A_248 = tpu.memref_squeeze %dma_start3A_247 : memref<1x1x16x128xf32, #tpu.memory_space<vmem>> -> memref<16x128xf32, #tpu.memory_space<vmem>>
    %dma_start3A_249 = arith.constant 0 : i32
    %dma_start3A_250 = tpu.memref_slice %arg2[%dma_start3A_249, %multiple_of3A_236] : memref<16x1000000xf32, #tpu.memory_space<hbm>> -> memref<16x128xf32, #tpu.memory_space<hbm>>
    tpu.enqueue_dma source(%dma_start3A_250 : memref<16x128xf32, #tpu.memory_space<hbm>>) target(%dma_start3A_248 : memref<16x128xf32, #tpu.memory_space<vmem>>) target_semaphore(%arg8 : memref<!tpu.dma_semaphore, #tpu.memory_space<semaphore_mem>>)
    %slice3A_251 = vector.extract_strided_slice %get3A_3 {offsets = [12], sizes = [1], strides = [1]} : vector<16xi32> to vector<1xi32>
    %squeeze3A_252 = vector.extract %slice3A_251[0] : i32 from vector<1xi32>
    %shift_right_logical3A_253 = arith.constant 7 : i32
    %shift_right_logical3A_254 = arith.shrui %squeeze3A_252, %shift_right_logical3A_253 : i32
    %shift_left3A_255 = arith.constant 7 : i32
    %shift_left3A_256 = arith.shli %shift_right_logical3A_254, %shift_left3A_255 : i32
    %multiple_of3A_257 = tpu.assume_multiple %shift_left3A_256, 128 : i32
    %dma_start3A_258 = arith.constant 0 : i32
    %dma_start3A_259 = arith.constant 12 : i32
    %dma_start3A_260 = arith.constant 0 : i32
    %dma_start3A_261 = arith.constant 0 : i32
    %dma_start3A_262 = tpu.memref_slice %arg7[%dma_start3A_258, %dma_start3A_259, %dma_start3A_260, %dma_start3A_261] : memref<2x16x16x128xf32, #tpu.memory_space<vmem>> -> memref<1x1x16x128xf32, #tpu.memory_space<vmem>>
    %dma_start3A_263 = tpu.memref_squeeze %dma_start3A_262 : memref<1x1x16x128xf32, #tpu.memory_space<vmem>> -> memref<16x128xf32, #tpu.memory_space<vmem>>
    %dma_start3A_264 = arith.constant 0 : i32
    %dma_start3A_265 = tpu.memref_slice %arg2[%dma_start3A_264, %multiple_of3A_257] : memref<16x1000000xf32, #tpu.memory_space<hbm>> -> memref<16x128xf32, #tpu.memory_space<hbm>>
    %dma_start3A_266 = arith.constant 0 : i32
    %dma_start3A_267 = arith.constant 0 : i32
    %dma_start3A_268 = tpu.memref_slice %arg7[%dma_start3A_258, %dma_start3A_259, %dma_start3A_266, %dma_start3A_267] : memref<2x16x16x128xf32, #tpu.memory_space<vmem>> -> memref<1x1x16x128xf32, #tpu.memory_space<vmem>>
    %dma_start3A_269 = tpu.memref_squeeze %dma_start3A_268 : memref<1x1x16x128xf32, #tpu.memory_space<vmem>> -> memref<16x128xf32, #tpu.memory_space<vmem>>
    %dma_start3A_270 = arith.constant 0 : i32
    %dma_start3A_271 = tpu.memref_slice %arg2[%dma_start3A_270, %multiple_of3A_257] : memref<16x1000000xf32, #tpu.memory_space<hbm>> -> memref<16x128xf32, #tpu.memory_space<hbm>>
    tpu.enqueue_dma source(%dma_start3A_271 : memref<16x128xf32, #tpu.memory_space<hbm>>) target(%dma_start3A_269 : memref<16x128xf32, #tpu.memory_space<vmem>>) target_semaphore(%arg8 : memref<!tpu.dma_semaphore, #tpu.memory_space<semaphore_mem>>)
    %slice3A_272 = vector.extract_strided_slice %get3A_3 {offsets = [13], sizes = [1], strides = [1]} : vector<16xi32> to vector<1xi32>
    %squeeze3A_273 = vector.extract %slice3A_272[0] : i32 from vector<1xi32>
    %shift_right_logical3A_274 = arith.constant 7 : i32
    %shift_right_logical3A_275 = arith.shrui %squeeze3A_273, %shift_right_logical3A_274 : i32
    %shift_left3A_276 = arith.constant 7 : i32
    %shift_left3A_277 = arith.shli %shift_right_logical3A_275, %shift_left3A_276 : i32
    %multiple_of3A_278 = tpu.assume_multiple %shift_left3A_277, 128 : i32
    %dma_start3A_279 = arith.constant 0 : i32
    %dma_start3A_280 = arith.constant 13 : i32
    %dma_start3A_281 = arith.constant 0 : i32
    %dma_start3A_282 = arith.constant 0 : i32
    %dma_start3A_283 = tpu.memref_slice %arg7[%dma_start3A_279, %dma_start3A_280, %dma_start3A_281, %dma_start3A_282] : memref<2x16x16x128xf32, #tpu.memory_space<vmem>> -> memref<1x1x16x128xf32, #tpu.memory_space<vmem>>
    %dma_start3A_284 = tpu.memref_squeeze %dma_start3A_283 : memref<1x1x16x128xf32, #tpu.memory_space<vmem>> -> memref<16x128xf32, #tpu.memory_space<vmem>>
    %dma_start3A_285 = arith.constant 0 : i32
    %dma_start3A_286 = tpu.memref_slice %arg2[%dma_start3A_285, %multiple_of3A_278] : memref<16x1000000xf32, #tpu.memory_space<hbm>> -> memref<16x128xf32, #tpu.memory_space<hbm>>
    %dma_start3A_287 = arith.constant 0 : i32
    %dma_start3A_288 = arith.constant 0 : i32
    %dma_start3A_289 = tpu.memref_slice %arg7[%dma_start3A_279, %dma_start3A_280, %dma_start3A_287, %dma_start3A_288] : memref<2x16x16x128xf32, #tpu.memory_space<vmem>> -> memref<1x1x16x128xf32, #tpu.memory_space<vmem>>
    %dma_start3A_290 = tpu.memref_squeeze %dma_start3A_289 : memref<1x1x16x128xf32, #tpu.memory_space<vmem>> -> memref<16x128xf32, #tpu.memory_space<vmem>>
    %dma_start3A_291 = arith.constant 0 : i32
    %dma_start3A_292 = tpu.memref_slice %arg2[%dma_start3A_291, %multiple_of3A_278] : memref<16x1000000xf32, #tpu.memory_space<hbm>> -> memref<16x128xf32, #tpu.memory_space<hbm>>
    tpu.enqueue_dma source(%dma_start3A_292 : memref<16x128xf32, #tpu.memory_space<hbm>>) target(%dma_start3A_290 : memref<16x128xf32, #tpu.memory_space<vmem>>) target_semaphore(%arg8 : memref<!tpu.dma_semaphore, #tpu.memory_space<semaphore_mem>>)
    %slice3A_293 = vector.extract_strided_slice %get3A_3 {offsets = [14], sizes = [1], strides = [1]} : vector<16xi32> to vector<1xi32>
    %squeeze3A_294 = vector.extract %slice3A_293[0] : i32 from vector<1xi32>
    %shift_right_logical3A_295 = arith.constant 7 : i32
    %shift_right_logical3A_296 = arith.shrui %squeeze3A_294, %shift_right_logical3A_295 : i32
    %shift_left3A_297 = arith.constant 7 : i32
    %shift_left3A_298 = arith.shli %shift_right_logical3A_296, %shift_left3A_297 : i32
    %multiple_of3A_299 = tpu.assume_multiple %shift_left3A_298, 128 : i32
    %dma_start3A_300 = arith.constant 0 : i32
    %dma_start3A_301 = arith.constant 14 : i32
    %dma_start3A_302 = arith.constant 0 : i32
    %dma_start3A_303 = arith.constant 0 : i32
    %dma_start3A_304 = tpu.memref_slice %arg7[%dma_start3A_300, %dma_start3A_301, %dma_start3A_302, %dma_start3A_303] : memref<2x16x16x128xf32, #tpu.memory_space<vmem>> -> memref<1x1x16x128xf32, #tpu.memory_space<vmem>>
    %dma_start3A_305 = tpu.memref_squeeze %dma_start3A_304 : memref<1x1x16x128xf32, #tpu.memory_space<vmem>> -> memref<16x128xf32, #tpu.memory_space<vmem>>
    %dma_start3A_306 = arith.constant 0 : i32
    %dma_start3A_307 = tpu.memref_slice %arg2[%dma_start3A_306, %multiple_of3A_299] : memref<16x1000000xf32, #tpu.memory_space<hbm>> -> memref<16x128xf32, #tpu.memory_space<hbm>>
    %dma_start3A_308 = arith.constant 0 : i32
    %dma_start3A_309 = arith.constant 0 : i32
    %dma_start3A_310 = tpu.memref_slice %arg7[%dma_start3A_300, %dma_start3A_301, %dma_start3A_308, %dma_start3A_309] : memref<2x16x16x128xf32, #tpu.memory_space<vmem>> -> memref<1x1x16x128xf32, #tpu.memory_space<vmem>>
    %dma_start3A_311 = tpu.memref_squeeze %dma_start3A_310 : memref<1x1x16x128xf32, #tpu.memory_space<vmem>> -> memref<16x128xf32, #tpu.memory_space<vmem>>
    %dma_start3A_312 = arith.constant 0 : i32
    %dma_start3A_313 = tpu.memref_slice %arg2[%dma_start3A_312, %multiple_of3A_299] : memref<16x1000000xf32, #tpu.memory_space<hbm>> -> memref<16x128xf32, #tpu.memory_space<hbm>>
    tpu.enqueue_dma source(%dma_start3A_313 : memref<16x128xf32, #tpu.memory_space<hbm>>) target(%dma_start3A_311 : memref<16x128xf32, #tpu.memory_space<vmem>>) target_semaphore(%arg8 : memref<!tpu.dma_semaphore, #tpu.memory_space<semaphore_mem>>)
    %slice3A_314 = vector.extract_strided_slice %get3A_3 {offsets = [15], sizes = [1], strides = [1]} : vector<16xi32> to vector<1xi32>
    %squeeze3A_315 = vector.extract %slice3A_314[0] : i32 from vector<1xi32>
    %shift_right_logical3A_316 = arith.constant 7 : i32
    %shift_right_logical3A_317 = arith.shrui %squeeze3A_315, %shift_right_logical3A_316 : i32
    %shift_left3A_318 = arith.constant 7 : i32
    %shift_left3A_319 = arith.shli %shift_right_logical3A_317, %shift_left3A_318 : i32
    %multiple_of3A_320 = tpu.assume_multiple %shift_left3A_319, 128 : i32
    %dma_start3A_321 = arith.constant 0 : i32
    %dma_start3A_322 = arith.constant 15 : i32
    %dma_start3A_323 = arith.constant 0 : i32
    %dma_start3A_324 = arith.constant 0 : i32
    %dma_start3A_325 = tpu.memref_slice %arg7[%dma_start3A_321, %dma_start3A_322, %dma_start3A_323, %dma_start3A_324] : memref<2x16x16x128xf32, #tpu.memory_space<vmem>> -> memref<1x1x16x128xf32, #tpu.memory_space<vmem>>
    %dma_start3A_326 = tpu.memref_squeeze %dma_start3A_325 : memref<1x1x16x128xf32, #tpu.memory_space<vmem>> -> memref<16x128xf32, #tpu.memory_space<vmem>>
    %dma_start3A_327 = arith.constant 0 : i32
    %dma_start3A_328 = tpu.memref_slice %arg2[%dma_start3A_327, %multiple_of3A_320] : memref<16x1000000xf32, #tpu.memory_space<hbm>> -> memref<16x128xf32, #tpu.memory_space<hbm>>
    %dma_start3A_329 = arith.constant 0 : i32
    %dma_start3A_330 = arith.constant 0 : i32
    %dma_start3A_331 = tpu.memref_slice %arg7[%dma_start3A_321, %dma_start3A_322, %dma_start3A_329, %dma_start3A_330] : memref<2x16x16x128xf32, #tpu.memory_space<vmem>> -> memref<1x1x16x128xf32, #tpu.memory_space<vmem>>
    %dma_start3A_332 = tpu.memref_squeeze %dma_start3A_331 : memref<1x1x16x128xf32, #tpu.memory_space<vmem>> -> memref<16x128xf32, #tpu.memory_space<vmem>>
    %dma_start3A_333 = arith.constant 0 : i32
    %dma_start3A_334 = tpu.memref_slice %arg2[%dma_start3A_333, %multiple_of3A_320] : memref<16x1000000xf32, #tpu.memory_space<hbm>> -> memref<16x128xf32, #tpu.memory_space<hbm>>
    tpu.enqueue_dma source(%dma_start3A_334 : memref<16x128xf32, #tpu.memory_space<hbm>>) target(%dma_start3A_332 : memref<16x128xf32, #tpu.memory_space<vmem>>) target_semaphore(%arg8 : memref<!tpu.dma_semaphore, #tpu.memory_space<semaphore_mem>>)
    %scan3A = arith.constant 0 : i32
    %scan3A_335 = arith.constant 0 : i32
    %scan3A_336 = arith.constant 32 : i32
    %scan3A_337 = arith.addi %scan3A_335, %scan3A_336 : i32
    %scan3A_338 = arith.constant 1 : i32
    scf.for %scan3A_340 = %scan3A_335 to %scan3A_337 step %scan3A_338  : i32 {
      %rem3A = arith.constant 2 : i32
      %rem3A_341 = arith.remsi %scan3A_340, %rem3A : i32
      %add3A_342 = arith.constant 1 : i32
      %add3A_343 = arith.addi %scan3A_340, %add3A_342 : i32
      %lt3A = arith.constant 32 : i32
      %lt3A_344 = arith.cmpi slt, %add3A_343, %lt3A : i32
      %convert_element_type3A = arith.extui %lt3A_344 : i1 to i32
      %cond3A = arith.constant 0 : i32
      %cond3A_345 = arith.cmpi ne, %convert_element_type3A, %cond3A : i32
      scf.if %cond3A_345 {
        %add3A_842 = arith.constant 1 : i32
        %add3A_843 = arith.addi %scan3A_340, %add3A_842 : i32
        %sub3A = arith.constant 1 : i32
        %sub3A_844 = arith.subi %sub3A, %rem3A_341 : i32
        %mul3A_845 = arith.constant 16 : i32
        %mul3A_846 = arith.muli %add3A_843, %mul3A_845 : i32
        %get3A_847 = arith.index_cast %mul3A_846 : i32 to index
        %get3A_848 = tpu.vector_load %arg5[%get3A_847] {strides = array<i32>} : memref<512xi32, #tpu.memory_space<vmem>>, vector<16xi32>,
        %slice3A_849 = vector.extract_strided_slice %get3A_848 {offsets = [0], sizes = [1], strides = [1]} : vector<16xi32> to vector<1xi32>
        %squeeze3A_850 = vector.extract %slice3A_849[0] : i32 from vector<1xi32>
        %shift_right_logical3A_851 = arith.constant 7 : i32
        %shift_right_logical3A_852 = arith.shrui %squeeze3A_850, %shift_right_logical3A_851 : i32
        %shift_left3A_853 = arith.constant 7 : i32
        %shift_left3A_854 = arith.shli %shift_right_logical3A_852, %shift_left3A_853 : i32
        %multiple_of3A_855 = tpu.assume_multiple %shift_left3A_854, 128 : i32
        %dma_start3A_856 = arith.constant 0 : i32
        %dma_start3A_857 = arith.constant 0 : i32
        %dma_start3A_858 = arith.constant 0 : i32
        %dma_start3A_859 = tpu.memref_slice %arg7[%sub3A_844, %dma_start3A_856, %dma_start3A_857, %dma_start3A_858] : memref<2x16x16x128xf32, #tpu.memory_space<vmem>> -> memref<1x1x16x128xf32, #tpu.memory_space<vmem>>
        %dma_start3A_860 = tpu.memref_squeeze %dma_start3A_859 : memref<1x1x16x128xf32, #tpu.memory_space<vmem>> -> memref<16x128xf32, #tpu.memory_space<vmem>>
        %dma_start3A_861 = arith.constant 0 : i32
        %dma_start3A_862 = tpu.memref_slice %arg2[%dma_start3A_861, %multiple_of3A_855] : memref<16x1000000xf32, #tpu.memory_space<hbm>> -> memref<16x128xf32, #tpu.memory_space<hbm>>
        %dma_start3A_863 = arith.constant 0 : i32
        %dma_start3A_864 = arith.constant 0 : i32
        %dma_start3A_865 = tpu.memref_slice %arg7[%sub3A_844, %dma_start3A_856, %dma_start3A_863, %dma_start3A_864] : memref<2x16x16x128xf32, #tpu.memory_space<vmem>> -> memref<1x1x16x128xf32, #tpu.memory_space<vmem>>
        %dma_start3A_866 = tpu.memref_squeeze %dma_start3A_865 : memref<1x1x16x128xf32, #tpu.memory_space<vmem>> -> memref<16x128xf32, #tpu.memory_space<vmem>>
        %dma_start3A_867 = arith.constant 0 : i32
        %dma_start3A_868 = tpu.memref_slice %arg2[%dma_start3A_867, %multiple_of3A_855] : memref<16x1000000xf32, #tpu.memory_space<hbm>> -> memref<16x128xf32, #tpu.memory_space<hbm>>
        tpu.enqueue_dma source(%dma_start3A_868 : memref<16x128xf32, #tpu.memory_space<hbm>>) target(%dma_start3A_866 : memref<16x128xf32, #tpu.memory_space<vmem>>) target_semaphore(%arg8 : memref<!tpu.dma_semaphore, #tpu.memory_space<semaphore_mem>>)
        %slice3A_869 = vector.extract_strided_slice %get3A_848 {offsets = [1], sizes = [1], strides = [1]} : vector<16xi32> to vector<1xi32>
        %squeeze3A_870 = vector.extract %slice3A_869[0] : i32 from vector<1xi32>
        %shift_right_logical3A_871 = arith.constant 7 : i32
        %shift_right_logical3A_872 = arith.shrui %squeeze3A_870, %shift_right_logical3A_871 : i32
        %shift_left3A_873 = arith.constant 7 : i32
        %shift_left3A_874 = arith.shli %shift_right_logical3A_872, %shift_left3A_873 : i32
        %multiple_of3A_875 = tpu.assume_multiple %shift_left3A_874, 128 : i32
        %dma_start3A_876 = arith.constant 1 : i32
        %dma_start3A_877 = arith.constant 0 : i32
        %dma_start3A_878 = arith.constant 0 : i32
        %dma_start3A_879 = tpu.memref_slice %arg7[%sub3A_844, %dma_start3A_876, %dma_start3A_877, %dma_start3A_878] : memref<2x16x16x128xf32, #tpu.memory_space<vmem>> -> memref<1x1x16x128xf32, #tpu.memory_space<vmem>>
        %dma_start3A_880 = tpu.memref_squeeze %dma_start3A_879 : memref<1x1x16x128xf32, #tpu.memory_space<vmem>> -> memref<16x128xf32, #tpu.memory_space<vmem>>
        %dma_start3A_881 = arith.constant 0 : i32
        %dma_start3A_882 = tpu.memref_slice %arg2[%dma_start3A_881, %multiple_of3A_875] : memref<16x1000000xf32, #tpu.memory_space<hbm>> -> memref<16x128xf32, #tpu.memory_space<hbm>>
        %dma_start3A_883 = arith.constant 0 : i32
        %dma_start3A_884 = arith.constant 0 : i32
        %dma_start3A_885 = tpu.memref_slice %arg7[%sub3A_844, %dma_start3A_876, %dma_start3A_883, %dma_start3A_884] : memref<2x16x16x128xf32, #tpu.memory_space<vmem>> -> memref<1x1x16x128xf32, #tpu.memory_space<vmem>>
        %dma_start3A_886 = tpu.memref_squeeze %dma_start3A_885 : memref<1x1x16x128xf32, #tpu.memory_space<vmem>> -> memref<16x128xf32, #tpu.memory_space<vmem>>
        %dma_start3A_887 = arith.constant 0 : i32
        %dma_start3A_888 = tpu.memref_slice %arg2[%dma_start3A_887, %multiple_of3A_875] : memref<16x1000000xf32, #tpu.memory_space<hbm>> -> memref<16x128xf32, #tpu.memory_space<hbm>>
        tpu.enqueue_dma source(%dma_start3A_888 : memref<16x128xf32, #tpu.memory_space<hbm>>) target(%dma_start3A_886 : memref<16x128xf32, #tpu.memory_space<vmem>>) target_semaphore(%arg8 : memref<!tpu.dma_semaphore, #tpu.memory_space<semaphore_mem>>)
        %slice3A_889 = vector.extract_strided_slice %get3A_848 {offsets = [2], sizes = [1], strides = [1]} : vector<16xi32> to vector<1xi32>
        %squeeze3A_890 = vector.extract %slice3A_889[0] : i32 from vector<1xi32>
        %shift_right_logical3A_891 = arith.constant 7 : i32
        %shift_right_logical3A_892 = arith.shrui %squeeze3A_890, %shift_right_logical3A_891 : i32
        %shift_left3A_893 = arith.constant 7 : i32
        %shift_left3A_894 = arith.shli %shift_right_logical3A_892, %shift_left3A_893 : i32
        %multiple_of3A_895 = tpu.assume_multiple %shift_left3A_894, 128 : i32
        %dma_start3A_896 = arith.constant 2 : i32
        %dma_start3A_897 = arith.constant 0 : i32
        %dma_start3A_898 = arith.constant 0 : i32
        %dma_start3A_899 = tpu.memref_slice %arg7[%sub3A_844, %dma_start3A_896, %dma_start3A_897, %dma_start3A_898] : memref<2x16x16x128xf32, #tpu.memory_space<vmem>> -> memref<1x1x16x128xf32, #tpu.memory_space<vmem>>
        %dma_start3A_900 = tpu.memref_squeeze %dma_start3A_899 : memref<1x1x16x128xf32, #tpu.memory_space<vmem>> -> memref<16x128xf32, #tpu.memory_space<vmem>>
        %dma_start3A_901 = arith.constant 0 : i32
        %dma_start3A_902 = tpu.memref_slice %arg2[%dma_start3A_901, %multiple_of3A_895] : memref<16x1000000xf32, #tpu.memory_space<hbm>> -> memref<16x128xf32, #tpu.memory_space<hbm>>
        %dma_start3A_903 = arith.constant 0 : i32
        %dma_start3A_904 = arith.constant 0 : i32
        %dma_start3A_905 = tpu.memref_slice %arg7[%sub3A_844, %dma_start3A_896, %dma_start3A_903, %dma_start3A_904] : memref<2x16x16x128xf32, #tpu.memory_space<vmem>> -> memref<1x1x16x128xf32, #tpu.memory_space<vmem>>
        %dma_start3A_906 = tpu.memref_squeeze %dma_start3A_905 : memref<1x1x16x128xf32, #tpu.memory_space<vmem>> -> memref<16x128xf32, #tpu.memory_space<vmem>>
        %dma_start3A_907 = arith.constant 0 : i32
        %dma_start3A_908 = tpu.memref_slice %arg2[%dma_start3A_907, %multiple_of3A_895] : memref<16x1000000xf32, #tpu.memory_space<hbm>> -> memref<16x128xf32, #tpu.memory_space<hbm>>
        tpu.enqueue_dma source(%dma_start3A_908 : memref<16x128xf32, #tpu.memory_space<hbm>>) target(%dma_start3A_906 : memref<16x128xf32, #tpu.memory_space<vmem>>) target_semaphore(%arg8 : memref<!tpu.dma_semaphore, #tpu.memory_space<semaphore_mem>>)
        %slice3A_909 = vector.extract_strided_slice %get3A_848 {offsets = [3], sizes = [1], strides = [1]} : vector<16xi32> to vector<1xi32>
        %squeeze3A_910 = vector.extract %slice3A_909[0] : i32 from vector<1xi32>
        %shift_right_logical3A_911 = arith.constant 7 : i32
        %shift_right_logical3A_912 = arith.shrui %squeeze3A_910, %shift_right_logical3A_911 : i32
        %shift_left3A_913 = arith.constant 7 : i32
        %shift_left3A_914 = arith.shli %shift_right_logical3A_912, %shift_left3A_913 : i32
        %multiple_of3A_915 = tpu.assume_multiple %shift_left3A_914, 128 : i32
        %dma_start3A_916 = arith.constant 3 : i32
        %dma_start3A_917 = arith.constant 0 : i32
        %dma_start3A_918 = arith.constant 0 : i32
        %dma_start3A_919 = tpu.memref_slice %arg7[%sub3A_844, %dma_start3A_916, %dma_start3A_917, %dma_start3A_918] : memref<2x16x16x128xf32, #tpu.memory_space<vmem>> -> memref<1x1x16x128xf32, #tpu.memory_space<vmem>>
        %dma_start3A_920 = tpu.memref_squeeze %dma_start3A_919 : memref<1x1x16x128xf32, #tpu.memory_space<vmem>> -> memref<16x128xf32, #tpu.memory_space<vmem>>
        %dma_start3A_921 = arith.constant 0 : i32
        %dma_start3A_922 = tpu.memref_slice %arg2[%dma_start3A_921, %multiple_of3A_915] : memref<16x1000000xf32, #tpu.memory_space<hbm>> -> memref<16x128xf32, #tpu.memory_space<hbm>>
        %dma_start3A_923 = arith.constant 0 : i32
        %dma_start3A_924 = arith.constant 0 : i32
        %dma_start3A_925 = tpu.memref_slice %arg7[%sub3A_844, %dma_start3A_916, %dma_start3A_923, %dma_start3A_924] : memref<2x16x16x128xf32, #tpu.memory_space<vmem>> -> memref<1x1x16x128xf32, #tpu.memory_space<vmem>>
        %dma_start3A_926 = tpu.memref_squeeze %dma_start3A_925 : memref<1x1x16x128xf32, #tpu.memory_space<vmem>> -> memref<16x128xf32, #tpu.memory_space<vmem>>
        %dma_start3A_927 = arith.constant 0 : i32
        %dma_start3A_928 = tpu.memref_slice %arg2[%dma_start3A_927, %multiple_of3A_915] : memref<16x1000000xf32, #tpu.memory_space<hbm>> -> memref<16x128xf32, #tpu.memory_space<hbm>>
        tpu.enqueue_dma source(%dma_start3A_928 : memref<16x128xf32, #tpu.memory_space<hbm>>) target(%dma_start3A_926 : memref<16x128xf32, #tpu.memory_space<vmem>>) target_semaphore(%arg8 : memref<!tpu.dma_semaphore, #tpu.memory_space<semaphore_mem>>)
        %slice3A_929 = vector.extract_strided_slice %get3A_848 {offsets = [4], sizes = [1], strides = [1]} : vector<16xi32> to vector<1xi32>
        %squeeze3A_930 = vector.extract %slice3A_929[0] : i32 from vector<1xi32>
        %shift_right_logical3A_931 = arith.constant 7 : i32
        %shift_right_logical3A_932 = arith.shrui %squeeze3A_930, %shift_right_logical3A_931 : i32
        %shift_left3A_933 = arith.constant 7 : i32
        %shift_left3A_934 = arith.shli %shift_right_logical3A_932, %shift_left3A_933 : i32
        %multiple_of3A_935 = tpu.assume_multiple %shift_left3A_934, 128 : i32
        %dma_start3A_936 = arith.constant 4 : i32
        %dma_start3A_937 = arith.constant 0 : i32
        %dma_start3A_938 = arith.constant 0 : i32
        %dma_start3A_939 = tpu.memref_slice %arg7[%sub3A_844, %dma_start3A_936, %dma_start3A_937, %dma_start3A_938] : memref<2x16x16x128xf32, #tpu.memory_space<vmem>> -> memref<1x1x16x128xf32, #tpu.memory_space<vmem>>
        %dma_start3A_940 = tpu.memref_squeeze %dma_start3A_939 : memref<1x1x16x128xf32, #tpu.memory_space<vmem>> -> memref<16x128xf32, #tpu.memory_space<vmem>>
        %dma_start3A_941 = arith.constant 0 : i32
        %dma_start3A_942 = tpu.memref_slice %arg2[%dma_start3A_941, %multiple_of3A_935] : memref<16x1000000xf32, #tpu.memory_space<hbm>> -> memref<16x128xf32, #tpu.memory_space<hbm>>
        %dma_start3A_943 = arith.constant 0 : i32
        %dma_start3A_944 = arith.constant 0 : i32
        %dma_start3A_945 = tpu.memref_slice %arg7[%sub3A_844, %dma_start3A_936, %dma_start3A_943, %dma_start3A_944] : memref<2x16x16x128xf32, #tpu.memory_space<vmem>> -> memref<1x1x16x128xf32, #tpu.memory_space<vmem>>
        %dma_start3A_946 = tpu.memref_squeeze %dma_start3A_945 : memref<1x1x16x128xf32, #tpu.memory_space<vmem>> -> memref<16x128xf32, #tpu.memory_space<vmem>>
        %dma_start3A_947 = arith.constant 0 : i32
        %dma_start3A_948 = tpu.memref_slice %arg2[%dma_start3A_947, %multiple_of3A_935] : memref<16x1000000xf32, #tpu.memory_space<hbm>> -> memref<16x128xf32, #tpu.memory_space<hbm>>
        tpu.enqueue_dma source(%dma_start3A_948 : memref<16x128xf32, #tpu.memory_space<hbm>>) target(%dma_start3A_946 : memref<16x128xf32, #tpu.memory_space<vmem>>) target_semaphore(%arg8 : memref<!tpu.dma_semaphore, #tpu.memory_space<semaphore_mem>>)
        %slice3A_949 = vector.extract_strided_slice %get3A_848 {offsets = [5], sizes = [1], strides = [1]} : vector<16xi32> to vector<1xi32>
        %squeeze3A_950 = vector.extract %slice3A_949[0] : i32 from vector<1xi32>
        %shift_right_logical3A_951 = arith.constant 7 : i32
        %shift_right_logical3A_952 = arith.shrui %squeeze3A_950, %shift_right_logical3A_951 : i32
        %shift_left3A_953 = arith.constant 7 : i32
        %shift_left3A_954 = arith.shli %shift_right_logical3A_952, %shift_left3A_953 : i32
        %multiple_of3A_955 = tpu.assume_multiple %shift_left3A_954, 128 : i32
        %dma_start3A_956 = arith.constant 5 : i32
        %dma_start3A_957 = arith.constant 0 : i32
        %dma_start3A_958 = arith.constant 0 : i32
        %dma_start3A_959 = tpu.memref_slice %arg7[%sub3A_844, %dma_start3A_956, %dma_start3A_957, %dma_start3A_958] : memref<2x16x16x128xf32, #tpu.memory_space<vmem>> -> memref<1x1x16x128xf32, #tpu.memory_space<vmem>>
        %dma_start3A_960 = tpu.memref_squeeze %dma_start3A_959 : memref<1x1x16x128xf32, #tpu.memory_space<vmem>> -> memref<16x128xf32, #tpu.memory_space<vmem>>
        %dma_start3A_961 = arith.constant 0 : i32
        %dma_start3A_962 = tpu.memref_slice %arg2[%dma_start3A_961, %multiple_of3A_955] : memref<16x1000000xf32, #tpu.memory_space<hbm>> -> memref<16x128xf32, #tpu.memory_space<hbm>>
        %dma_start3A_963 = arith.constant 0 : i32
        %dma_start3A_964 = arith.constant 0 : i32
        %dma_start3A_965 = tpu.memref_slice %arg7[%sub3A_844, %dma_start3A_956, %dma_start3A_963, %dma_start3A_964] : memref<2x16x16x128xf32, #tpu.memory_space<vmem>> -> memref<1x1x16x128xf32, #tpu.memory_space<vmem>>
        %dma_start3A_966 = tpu.memref_squeeze %dma_start3A_965 : memref<1x1x16x128xf32, #tpu.memory_space<vmem>> -> memref<16x128xf32, #tpu.memory_space<vmem>>
        %dma_start3A_967 = arith.constant 0 : i32
        %dma_start3A_968 = tpu.memref_slice %arg2[%dma_start3A_967, %multiple_of3A_955] : memref<16x1000000xf32, #tpu.memory_space<hbm>> -> memref<16x128xf32, #tpu.memory_space<hbm>>
        tpu.enqueue_dma source(%dma_start3A_968 : memref<16x128xf32, #tpu.memory_space<hbm>>) target(%dma_start3A_966 : memref<16x128xf32, #tpu.memory_space<vmem>>) target_semaphore(%arg8 : memref<!tpu.dma_semaphore, #tpu.memory_space<semaphore_mem>>)
        %slice3A_969 = vector.extract_strided_slice %get3A_848 {offsets = [6], sizes = [1], strides = [1]} : vector<16xi32> to vector<1xi32>
        %squeeze3A_970 = vector.extract %slice3A_969[0] : i32 from vector<1xi32>
        %shift_right_logical3A_971 = arith.constant 7 : i32
        %shift_right_logical3A_972 = arith.shrui %squeeze3A_970, %shift_right_logical3A_971 : i32
        %shift_left3A_973 = arith.constant 7 : i32
        %shift_left3A_974 = arith.shli %shift_right_logical3A_972, %shift_left3A_973 : i32
        %multiple_of3A_975 = tpu.assume_multiple %shift_left3A_974, 128 : i32
        %dma_start3A_976 = arith.constant 6 : i32
        %dma_start3A_977 = arith.constant 0 : i32
        %dma_start3A_978 = arith.constant 0 : i32
        %dma_start3A_979 = tpu.memref_slice %arg7[%sub3A_844, %dma_start3A_976, %dma_start3A_977, %dma_start3A_978] : memref<2x16x16x128xf32, #tpu.memory_space<vmem>> -> memref<1x1x16x128xf32, #tpu.memory_space<vmem>>
        %dma_start3A_980 = tpu.memref_squeeze %dma_start3A_979 : memref<1x1x16x128xf32, #tpu.memory_space<vmem>> -> memref<16x128xf32, #tpu.memory_space<vmem>>
        %dma_start3A_981 = arith.constant 0 : i32
        %dma_start3A_982 = tpu.memref_slice %arg2[%dma_start3A_981, %multiple_of3A_975] : memref<16x1000000xf32, #tpu.memory_space<hbm>> -> memref<16x128xf32, #tpu.memory_space<hbm>>
        %dma_start3A_983 = arith.constant 0 : i32
        %dma_start3A_984 = arith.constant 0 : i32
        %dma_start3A_985 = tpu.memref_slice %arg7[%sub3A_844, %dma_start3A_976, %dma_start3A_983, %dma_start3A_984] : memref<2x16x16x128xf32, #tpu.memory_space<vmem>> -> memref<1x1x16x128xf32, #tpu.memory_space<vmem>>
        %dma_start3A_986 = tpu.memref_squeeze %dma_start3A_985 : memref<1x1x16x128xf32, #tpu.memory_space<vmem>> -> memref<16x128xf32, #tpu.memory_space<vmem>>
        %dma_start3A_987 = arith.constant 0 : i32
        %dma_start3A_988 = tpu.memref_slice %arg2[%dma_start3A_987, %multiple_of3A_975] : memref<16x1000000xf32, #tpu.memory_space<hbm>> -> memref<16x128xf32, #tpu.memory_space<hbm>>
        tpu.enqueue_dma source(%dma_start3A_988 : memref<16x128xf32, #tpu.memory_space<hbm>>) target(%dma_start3A_986 : memref<16x128xf32, #tpu.memory_space<vmem>>) target_semaphore(%arg8 : memref<!tpu.dma_semaphore, #tpu.memory_space<semaphore_mem>>)
        %slice3A_989 = vector.extract_strided_slice %get3A_848 {offsets = [7], sizes = [1], strides = [1]} : vector<16xi32> to vector<1xi32>
        %squeeze3A_990 = vector.extract %slice3A_989[0] : i32 from vector<1xi32>
        %shift_right_logical3A_991 = arith.constant 7 : i32
        %shift_right_logical3A_992 = arith.shrui %squeeze3A_990, %shift_right_logical3A_991 : i32
        %shift_left3A_993 = arith.constant 7 : i32
        %shift_left3A_994 = arith.shli %shift_right_logical3A_992, %shift_left3A_993 : i32
        %multiple_of3A_995 = tpu.assume_multiple %shift_left3A_994, 128 : i32
        %dma_start3A_996 = arith.constant 7 : i32
        %dma_start3A_997 = arith.constant 0 : i32
        %dma_start3A_998 = arith.constant 0 : i32
        %dma_start3A_999 = tpu.memref_slice %arg7[%sub3A_844, %dma_start3A_996, %dma_start3A_997, %dma_start3A_998] : memref<2x16x16x128xf32, #tpu.memory_space<vmem>> -> memref<1x1x16x128xf32, #tpu.memory_space<vmem>>
        %dma_start3A_1000 = tpu.memref_squeeze %dma_start3A_999 : memref<1x1x16x128xf32, #tpu.memory_space<vmem>> -> memref<16x128xf32, #tpu.memory_space<vmem>>
        %dma_start3A_1001 = arith.constant 0 : i32
        %dma_start3A_1002 = tpu.memref_slice %arg2[%dma_start3A_1001, %multiple_of3A_995] : memref<16x1000000xf32, #tpu.memory_space<hbm>> -> memref<16x128xf32, #tpu.memory_space<hbm>>
        %dma_start3A_1003 = arith.constant 0 : i32
        %dma_start3A_1004 = arith.constant 0 : i32
        %dma_start3A_1005 = tpu.memref_slice %arg7[%sub3A_844, %dma_start3A_996, %dma_start3A_1003, %dma_start3A_1004] : memref<2x16x16x128xf32, #tpu.memory_space<vmem>> -> memref<1x1x16x128xf32, #tpu.memory_space<vmem>>
        %dma_start3A_1006 = tpu.memref_squeeze %dma_start3A_1005 : memref<1x1x16x128xf32, #tpu.memory_space<vmem>> -> memref<16x128xf32, #tpu.memory_space<vmem>>
        %dma_start3A_1007 = arith.constant 0 : i32
        %dma_start3A_1008 = tpu.memref_slice %arg2[%dma_start3A_1007, %multiple_of3A_995] : memref<16x1000000xf32, #tpu.memory_space<hbm>> -> memref<16x128xf32, #tpu.memory_space<hbm>>
        tpu.enqueue_dma source(%dma_start3A_1008 : memref<16x128xf32, #tpu.memory_space<hbm>>) target(%dma_start3A_1006 : memref<16x128xf32, #tpu.memory_space<vmem>>) target_semaphore(%arg8 : memref<!tpu.dma_semaphore, #tpu.memory_space<semaphore_mem>>)
        %slice3A_1009 = vector.extract_strided_slice %get3A_848 {offsets = [8], sizes = [1], strides = [1]} : vector<16xi32> to vector<1xi32>
        %squeeze3A_1010 = vector.extract %slice3A_1009[0] : i32 from vector<1xi32>
        %shift_right_logical3A_1011 = arith.constant 7 : i32
        %shift_right_logical3A_1012 = arith.shrui %squeeze3A_1010, %shift_right_logical3A_1011 : i32
        %shift_left3A_1013 = arith.constant 7 : i32
        %shift_left3A_1014 = arith.shli %shift_right_logical3A_1012, %shift_left3A_1013 : i32
        %multiple_of3A_1015 = tpu.assume_multiple %shift_left3A_1014, 128 : i32
        %dma_start3A_1016 = arith.constant 8 : i32
        %dma_start3A_1017 = arith.constant 0 : i32
        %dma_start3A_1018 = arith.constant 0 : i32
        %dma_start3A_1019 = tpu.memref_slice %arg7[%sub3A_844, %dma_start3A_1016, %dma_start3A_1017, %dma_start3A_1018] : memref<2x16x16x128xf32, #tpu.memory_space<vmem>> -> memref<1x1x16x128xf32, #tpu.memory_space<vmem>>
        %dma_start3A_1020 = tpu.memref_squeeze %dma_start3A_1019 : memref<1x1x16x128xf32, #tpu.memory_space<vmem>> -> memref<16x128xf32, #tpu.memory_space<vmem>>
        %dma_start3A_1021 = arith.constant 0 : i32
        %dma_start3A_1022 = tpu.memref_slice %arg2[%dma_start3A_1021, %multiple_of3A_1015] : memref<16x1000000xf32, #tpu.memory_space<hbm>> -> memref<16x128xf32, #tpu.memory_space<hbm>>
        %dma_start3A_1023 = arith.constant 0 : i32
        %dma_start3A_1024 = arith.constant 0 : i32
        %dma_start3A_1025 = tpu.memref_slice %arg7[%sub3A_844, %dma_start3A_1016, %dma_start3A_1023, %dma_start3A_1024] : memref<2x16x16x128xf32, #tpu.memory_space<vmem>> -> memref<1x1x16x128xf32, #tpu.memory_space<vmem>>
        %dma_start3A_1026 = tpu.memref_squeeze %dma_start3A_1025 : memref<1x1x16x128xf32, #tpu.memory_space<vmem>> -> memref<16x128xf32, #tpu.memory_space<vmem>>
        %dma_start3A_1027 = arith.constant 0 : i32
        %dma_start3A_1028 = tpu.memref_slice %arg2[%dma_start3A_1027, %multiple_of3A_1015] : memref<16x1000000xf32, #tpu.memory_space<hbm>> -> memref<16x128xf32, #tpu.memory_space<hbm>>
        tpu.enqueue_dma source(%dma_start3A_1028 : memref<16x128xf32, #tpu.memory_space<hbm>>) target(%dma_start3A_1026 : memref<16x128xf32, #tpu.memory_space<vmem>>) target_semaphore(%arg8 : memref<!tpu.dma_semaphore, #tpu.memory_space<semaphore_mem>>)
        %slice3A_1029 = vector.extract_strided_slice %get3A_848 {offsets = [9], sizes = [1], strides = [1]} : vector<16xi32> to vector<1xi32>
        %squeeze3A_1030 = vector.extract %slice3A_1029[0] : i32 from vector<1xi32>
        %shift_right_logical3A_1031 = arith.constant 7 : i32
        %shift_right_logical3A_1032 = arith.shrui %squeeze3A_1030, %shift_right_logical3A_1031 : i32
        %shift_left3A_1033 = arith.constant 7 : i32
        %shift_left3A_1034 = arith.shli %shift_right_logical3A_1032, %shift_left3A_1033 : i32
        %multiple_of3A_1035 = tpu.assume_multiple %shift_left3A_1034, 128 : i32
        %dma_start3A_1036 = arith.constant 9 : i32
        %dma_start3A_1037 = arith.constant 0 : i32
        %dma_start3A_1038 = arith.constant 0 : i32
        %dma_start3A_1039 = tpu.memref_slice %arg7[%sub3A_844, %dma_start3A_1036, %dma_start3A_1037, %dma_start3A_1038] : memref<2x16x16x128xf32, #tpu.memory_space<vmem>> -> memref<1x1x16x128xf32, #tpu.memory_space<vmem>>
        %dma_start3A_1040 = tpu.memref_squeeze %dma_start3A_1039 : memref<1x1x16x128xf32, #tpu.memory_space<vmem>> -> memref<16x128xf32, #tpu.memory_space<vmem>>
        %dma_start3A_1041 = arith.constant 0 : i32
        %dma_start3A_1042 = tpu.memref_slice %arg2[%dma_start3A_1041, %multiple_of3A_1035] : memref<16x1000000xf32, #tpu.memory_space<hbm>> -> memref<16x128xf32, #tpu.memory_space<hbm>>
        %dma_start3A_1043 = arith.constant 0 : i32
        %dma_start3A_1044 = arith.constant 0 : i32
        %dma_start3A_1045 = tpu.memref_slice %arg7[%sub3A_844, %dma_start3A_1036, %dma_start3A_1043, %dma_start3A_1044] : memref<2x16x16x128xf32, #tpu.memory_space<vmem>> -> memref<1x1x16x128xf32, #tpu.memory_space<vmem>>
        %dma_start3A_1046 = tpu.memref_squeeze %dma_start3A_1045 : memref<1x1x16x128xf32, #tpu.memory_space<vmem>> -> memref<16x128xf32, #tpu.memory_space<vmem>>
        %dma_start3A_1047 = arith.constant 0 : i32
        %dma_start3A_1048 = tpu.memref_slice %arg2[%dma_start3A_1047, %multiple_of3A_1035] : memref<16x1000000xf32, #tpu.memory_space<hbm>> -> memref<16x128xf32, #tpu.memory_space<hbm>>
        tpu.enqueue_dma source(%dma_start3A_1048 : memref<16x128xf32, #tpu.memory_space<hbm>>) target(%dma_start3A_1046 : memref<16x128xf32, #tpu.memory_space<vmem>>) target_semaphore(%arg8 : memref<!tpu.dma_semaphore, #tpu.memory_space<semaphore_mem>>)
        %slice3A_1049 = vector.extract_strided_slice %get3A_848 {offsets = [10], sizes = [1], strides = [1]} : vector<16xi32> to vector<1xi32>
        %squeeze3A_1050 = vector.extract %slice3A_1049[0] : i32 from vector<1xi32>
        %shift_right_logical3A_1051 = arith.constant 7 : i32
        %shift_right_logical3A_1052 = arith.shrui %squeeze3A_1050, %shift_right_logical3A_1051 : i32
        %shift_left3A_1053 = arith.constant 7 : i32
        %shift_left3A_1054 = arith.shli %shift_right_logical3A_1052, %shift_left3A_1053 : i32
        %multiple_of3A_1055 = tpu.assume_multiple %shift_left3A_1054, 128 : i32
        %dma_start3A_1056 = arith.constant 10 : i32
        %dma_start3A_1057 = arith.constant 0 : i32
        %dma_start3A_1058 = arith.constant 0 : i32
        %dma_start3A_1059 = tpu.memref_slice %arg7[%sub3A_844, %dma_start3A_1056, %dma_start3A_1057, %dma_start3A_1058] : memref<2x16x16x128xf32, #tpu.memory_space<vmem>> -> memref<1x1x16x128xf32, #tpu.memory_space<vmem>>
        %dma_start3A_1060 = tpu.memref_squeeze %dma_start3A_1059 : memref<1x1x16x128xf32, #tpu.memory_space<vmem>> -> memref<16x128xf32, #tpu.memory_space<vmem>>
        %dma_start3A_1061 = arith.constant 0 : i32
        %dma_start3A_1062 = tpu.memref_slice %arg2[%dma_start3A_1061, %multiple_of3A_1055] : memref<16x1000000xf32, #tpu.memory_space<hbm>> -> memref<16x128xf32, #tpu.memory_space<hbm>>
        %dma_start3A_1063 = arith.constant 0 : i32
        %dma_start3A_1064 = arith.constant 0 : i32
        %dma_start3A_1065 = tpu.memref_slice %arg7[%sub3A_844, %dma_start3A_1056, %dma_start3A_1063, %dma_start3A_1064] : memref<2x16x16x128xf32, #tpu.memory_space<vmem>> -> memref<1x1x16x128xf32, #tpu.memory_space<vmem>>
        %dma_start3A_1066 = tpu.memref_squeeze %dma_start3A_1065 : memref<1x1x16x128xf32, #tpu.memory_space<vmem>> -> memref<16x128xf32, #tpu.memory_space<vmem>>
        %dma_start3A_1067 = arith.constant 0 : i32
        %dma_start3A_1068 = tpu.memref_slice %arg2[%dma_start3A_1067, %multiple_of3A_1055] : memref<16x1000000xf32, #tpu.memory_space<hbm>> -> memref<16x128xf32, #tpu.memory_space<hbm>>
        tpu.enqueue_dma source(%dma_start3A_1068 : memref<16x128xf32, #tpu.memory_space<hbm>>) target(%dma_start3A_1066 : memref<16x128xf32, #tpu.memory_space<vmem>>) target_semaphore(%arg8 : memref<!tpu.dma_semaphore, #tpu.memory_space<semaphore_mem>>)
        %slice3A_1069 = vector.extract_strided_slice %get3A_848 {offsets = [11], sizes = [1], strides = [1]} : vector<16xi32> to vector<1xi32>
        %squeeze3A_1070 = vector.extract %slice3A_1069[0] : i32 from vector<1xi32>
        %shift_right_logical3A_1071 = arith.constant 7 : i32
        %shift_right_logical3A_1072 = arith.shrui %squeeze3A_1070, %shift_right_logical3A_1071 : i32
        %shift_left3A_1073 = arith.constant 7 : i32
        %shift_left3A_1074 = arith.shli %shift_right_logical3A_1072, %shift_left3A_1073 : i32
        %multiple_of3A_1075 = tpu.assume_multiple %shift_left3A_1074, 128 : i32
        %dma_start3A_1076 = arith.constant 11 : i32
        %dma_start3A_1077 = arith.constant 0 : i32
        %dma_start3A_1078 = arith.constant 0 : i32
        %dma_start3A_1079 = tpu.memref_slice %arg7[%sub3A_844, %dma_start3A_1076, %dma_start3A_1077, %dma_start3A_1078] : memref<2x16x16x128xf32, #tpu.memory_space<vmem>> -> memref<1x1x16x128xf32, #tpu.memory_space<vmem>>
        %dma_start3A_1080 = tpu.memref_squeeze %dma_start3A_1079 : memref<1x1x16x128xf32, #tpu.memory_space<vmem>> -> memref<16x128xf32, #tpu.memory_space<vmem>>
        %dma_start3A_1081 = arith.constant 0 : i32
        %dma_start3A_1082 = tpu.memref_slice %arg2[%dma_start3A_1081, %multiple_of3A_1075] : memref<16x1000000xf32, #tpu.memory_space<hbm>> -> memref<16x128xf32, #tpu.memory_space<hbm>>
        %dma_start3A_1083 = arith.constant 0 : i32
        %dma_start3A_1084 = arith.constant 0 : i32
        %dma_start3A_1085 = tpu.memref_slice %arg7[%sub3A_844, %dma_start3A_1076, %dma_start3A_1083, %dma_start3A_1084] : memref<2x16x16x128xf32, #tpu.memory_space<vmem>> -> memref<1x1x16x128xf32, #tpu.memory_space<vmem>>
        %dma_start3A_1086 = tpu.memref_squeeze %dma_start3A_1085 : memref<1x1x16x128xf32, #tpu.memory_space<vmem>> -> memref<16x128xf32, #tpu.memory_space<vmem>>
        %dma_start3A_1087 = arith.constant 0 : i32
        %dma_start3A_1088 = tpu.memref_slice %arg2[%dma_start3A_1087, %multiple_of3A_1075] : memref<16x1000000xf32, #tpu.memory_space<hbm>> -> memref<16x128xf32, #tpu.memory_space<hbm>>
        tpu.enqueue_dma source(%dma_start3A_1088 : memref<16x128xf32, #tpu.memory_space<hbm>>) target(%dma_start3A_1086 : memref<16x128xf32, #tpu.memory_space<vmem>>) target_semaphore(%arg8 : memref<!tpu.dma_semaphore, #tpu.memory_space<semaphore_mem>>)
        %slice3A_1089 = vector.extract_strided_slice %get3A_848 {offsets = [12], sizes = [1], strides = [1]} : vector<16xi32> to vector<1xi32>
        %squeeze3A_1090 = vector.extract %slice3A_1089[0] : i32 from vector<1xi32>
        %shift_right_logical3A_1091 = arith.constant 7 : i32
        %shift_right_logical3A_1092 = arith.shrui %squeeze3A_1090, %shift_right_logical3A_1091 : i32
        %shift_left3A_1093 = arith.constant 7 : i32
        %shift_left3A_1094 = arith.shli %shift_right_logical3A_1092, %shift_left3A_1093 : i32
        %multiple_of3A_1095 = tpu.assume_multiple %shift_left3A_1094, 128 : i32
        %dma_start3A_1096 = arith.constant 12 : i32
        %dma_start3A_1097 = arith.constant 0 : i32
        %dma_start3A_1098 = arith.constant 0 : i32
        %dma_start3A_1099 = tpu.memref_slice %arg7[%sub3A_844, %dma_start3A_1096, %dma_start3A_1097, %dma_start3A_1098] : memref<2x16x16x128xf32, #tpu.memory_space<vmem>> -> memref<1x1x16x128xf32, #tpu.memory_space<vmem>>
        %dma_start3A_1100 = tpu.memref_squeeze %dma_start3A_1099 : memref<1x1x16x128xf32, #tpu.memory_space<vmem>> -> memref<16x128xf32, #tpu.memory_space<vmem>>
        %dma_start3A_1101 = arith.constant 0 : i32
        %dma_start3A_1102 = tpu.memref_slice %arg2[%dma_start3A_1101, %multiple_of3A_1095] : memref<16x1000000xf32, #tpu.memory_space<hbm>> -> memref<16x128xf32, #tpu.memory_space<hbm>>
        %dma_start3A_1103 = arith.constant 0 : i32
        %dma_start3A_1104 = arith.constant 0 : i32
        %dma_start3A_1105 = tpu.memref_slice %arg7[%sub3A_844, %dma_start3A_1096, %dma_start3A_1103, %dma_start3A_1104] : memref<2x16x16x128xf32, #tpu.memory_space<vmem>> -> memref<1x1x16x128xf32, #tpu.memory_space<vmem>>
        %dma_start3A_1106 = tpu.memref_squeeze %dma_start3A_1105 : memref<1x1x16x128xf32, #tpu.memory_space<vmem>> -> memref<16x128xf32, #tpu.memory_space<vmem>>
        %dma_start3A_1107 = arith.constant 0 : i32
        %dma_start3A_1108 = tpu.memref_slice %arg2[%dma_start3A_1107, %multiple_of3A_1095] : memref<16x1000000xf32, #tpu.memory_space<hbm>> -> memref<16x128xf32, #tpu.memory_space<hbm>>
        tpu.enqueue_dma source(%dma_start3A_1108 : memref<16x128xf32, #tpu.memory_space<hbm>>) target(%dma_start3A_1106 : memref<16x128xf32, #tpu.memory_space<vmem>>) target_semaphore(%arg8 : memref<!tpu.dma_semaphore, #tpu.memory_space<semaphore_mem>>)
        %slice3A_1109 = vector.extract_strided_slice %get3A_848 {offsets = [13], sizes = [1], strides = [1]} : vector<16xi32> to vector<1xi32>
        %squeeze3A_1110 = vector.extract %slice3A_1109[0] : i32 from vector<1xi32>
        %shift_right_logical3A_1111 = arith.constant 7 : i32
        %shift_right_logical3A_1112 = arith.shrui %squeeze3A_1110, %shift_right_logical3A_1111 : i32
        %shift_left3A_1113 = arith.constant 7 : i32
        %shift_left3A_1114 = arith.shli %shift_right_logical3A_1112, %shift_left3A_1113 : i32
        %multiple_of3A_1115 = tpu.assume_multiple %shift_left3A_1114, 128 : i32
        %dma_start3A_1116 = arith.constant 13 : i32
        %dma_start3A_1117 = arith.constant 0 : i32
        %dma_start3A_1118 = arith.constant 0 : i32
        %dma_start3A_1119 = tpu.memref_slice %arg7[%sub3A_844, %dma_start3A_1116, %dma_start3A_1117, %dma_start3A_1118] : memref<2x16x16x128xf32, #tpu.memory_space<vmem>> -> memref<1x1x16x128xf32, #tpu.memory_space<vmem>>
        %dma_start3A_1120 = tpu.memref_squeeze %dma_start3A_1119 : memref<1x1x16x128xf32, #tpu.memory_space<vmem>> -> memref<16x128xf32, #tpu.memory_space<vmem>>
        %dma_start3A_1121 = arith.constant 0 : i32
        %dma_start3A_1122 = tpu.memref_slice %arg2[%dma_start3A_1121, %multiple_of3A_1115] : memref<16x1000000xf32, #tpu.memory_space<hbm>> -> memref<16x128xf32, #tpu.memory_space<hbm>>
        %dma_start3A_1123 = arith.constant 0 : i32
        %dma_start3A_1124 = arith.constant 0 : i32
        %dma_start3A_1125 = tpu.memref_slice %arg7[%sub3A_844, %dma_start3A_1116, %dma_start3A_1123, %dma_start3A_1124] : memref<2x16x16x128xf32, #tpu.memory_space<vmem>> -> memref<1x1x16x128xf32, #tpu.memory_space<vmem>>
        %dma_start3A_1126 = tpu.memref_squeeze %dma_start3A_1125 : memref<1x1x16x128xf32, #tpu.memory_space<vmem>> -> memref<16x128xf32, #tpu.memory_space<vmem>>
        %dma_start3A_1127 = arith.constant 0 : i32
        %dma_start3A_1128 = tpu.memref_slice %arg2[%dma_start3A_1127, %multiple_of3A_1115] : memref<16x1000000xf32, #tpu.memory_space<hbm>> -> memref<16x128xf32, #tpu.memory_space<hbm>>
        tpu.enqueue_dma source(%dma_start3A_1128 : memref<16x128xf32, #tpu.memory_space<hbm>>) target(%dma_start3A_1126 : memref<16x128xf32, #tpu.memory_space<vmem>>) target_semaphore(%arg8 : memref<!tpu.dma_semaphore, #tpu.memory_space<semaphore_mem>>)
        %slice3A_1129 = vector.extract_strided_slice %get3A_848 {offsets = [14], sizes = [1], strides = [1]} : vector<16xi32> to vector<1xi32>
        %squeeze3A_1130 = vector.extract %slice3A_1129[0] : i32 from vector<1xi32>
        %shift_right_logical3A_1131 = arith.constant 7 : i32
        %shift_right_logical3A_1132 = arith.shrui %squeeze3A_1130, %shift_right_logical3A_1131 : i32
        %shift_left3A_1133 = arith.constant 7 : i32
        %shift_left3A_1134 = arith.shli %shift_right_logical3A_1132, %shift_left3A_1133 : i32
        %multiple_of3A_1135 = tpu.assume_multiple %shift_left3A_1134, 128 : i32
        %dma_start3A_1136 = arith.constant 14 : i32
        %dma_start3A_1137 = arith.constant 0 : i32
        %dma_start3A_1138 = arith.constant 0 : i32
        %dma_start3A_1139 = tpu.memref_slice %arg7[%sub3A_844, %dma_start3A_1136, %dma_start3A_1137, %dma_start3A_1138] : memref<2x16x16x128xf32, #tpu.memory_space<vmem>> -> memref<1x1x16x128xf32, #tpu.memory_space<vmem>>
        %dma_start3A_1140 = tpu.memref_squeeze %dma_start3A_1139 : memref<1x1x16x128xf32, #tpu.memory_space<vmem>> -> memref<16x128xf32, #tpu.memory_space<vmem>>
        %dma_start3A_1141 = arith.constant 0 : i32
        %dma_start3A_1142 = tpu.memref_slice %arg2[%dma_start3A_1141, %multiple_of3A_1135] : memref<16x1000000xf32, #tpu.memory_space<hbm>> -> memref<16x128xf32, #tpu.memory_space<hbm>>
        %dma_start3A_1143 = arith.constant 0 : i32
        %dma_start3A_1144 = arith.constant 0 : i32
        %dma_start3A_1145 = tpu.memref_slice %arg7[%sub3A_844, %dma_start3A_1136, %dma_start3A_1143, %dma_start3A_1144] : memref<2x16x16x128xf32, #tpu.memory_space<vmem>> -> memref<1x1x16x128xf32, #tpu.memory_space<vmem>>
        %dma_start3A_1146 = tpu.memref_squeeze %dma_start3A_1145 : memref<1x1x16x128xf32, #tpu.memory_space<vmem>> -> memref<16x128xf32, #tpu.memory_space<vmem>>
        %dma_start3A_1147 = arith.constant 0 : i32
        %dma_start3A_1148 = tpu.memref_slice %arg2[%dma_start3A_1147, %multiple_of3A_1135] : memref<16x1000000xf32, #tpu.memory_space<hbm>> -> memref<16x128xf32, #tpu.memory_space<hbm>>
        tpu.enqueue_dma source(%dma_start3A_1148 : memref<16x128xf32, #tpu.memory_space<hbm>>) target(%dma_start3A_1146 : memref<16x128xf32, #tpu.memory_space<vmem>>) target_semaphore(%arg8 : memref<!tpu.dma_semaphore, #tpu.memory_space<semaphore_mem>>)
        %slice3A_1149 = vector.extract_strided_slice %get3A_848 {offsets = [15], sizes = [1], strides = [1]} : vector<16xi32> to vector<1xi32>
        %squeeze3A_1150 = vector.extract %slice3A_1149[0] : i32 from vector<1xi32>
        %shift_right_logical3A_1151 = arith.constant 7 : i32
        %shift_right_logical3A_1152 = arith.shrui %squeeze3A_1150, %shift_right_logical3A_1151 : i32
        %shift_left3A_1153 = arith.constant 7 : i32
        %shift_left3A_1154 = arith.shli %shift_right_logical3A_1152, %shift_left3A_1153 : i32
        %multiple_of3A_1155 = tpu.assume_multiple %shift_left3A_1154, 128 : i32
        %dma_start3A_1156 = arith.constant 15 : i32
        %dma_start3A_1157 = arith.constant 0 : i32
        %dma_start3A_1158 = arith.constant 0 : i32
        %dma_start3A_1159 = tpu.memref_slice %arg7[%sub3A_844, %dma_start3A_1156, %dma_start3A_1157, %dma_start3A_1158] : memref<2x16x16x128xf32, #tpu.memory_space<vmem>> -> memref<1x1x16x128xf32, #tpu.memory_space<vmem>>
        %dma_start3A_1160 = tpu.memref_squeeze %dma_start3A_1159 : memref<1x1x16x128xf32, #tpu.memory_space<vmem>> -> memref<16x128xf32, #tpu.memory_space<vmem>>
        %dma_start3A_1161 = arith.constant 0 : i32
        %dma_start3A_1162 = tpu.memref_slice %arg2[%dma_start3A_1161, %multiple_of3A_1155] : memref<16x1000000xf32, #tpu.memory_space<hbm>> -> memref<16x128xf32, #tpu.memory_space<hbm>>
        %dma_start3A_1163 = arith.constant 0 : i32
        %dma_start3A_1164 = arith.constant 0 : i32
        %dma_start3A_1165 = tpu.memref_slice %arg7[%sub3A_844, %dma_start3A_1156, %dma_start3A_1163, %dma_start3A_1164] : memref<2x16x16x128xf32, #tpu.memory_space<vmem>> -> memref<1x1x16x128xf32, #tpu.memory_space<vmem>>
        %dma_start3A_1166 = tpu.memref_squeeze %dma_start3A_1165 : memref<1x1x16x128xf32, #tpu.memory_space<vmem>> -> memref<16x128xf32, #tpu.memory_space<vmem>>
        %dma_start3A_1167 = arith.constant 0 : i32
        %dma_start3A_1168 = tpu.memref_slice %arg2[%dma_start3A_1167, %multiple_of3A_1155] : memref<16x1000000xf32, #tpu.memory_space<hbm>> -> memref<16x128xf32, #tpu.memory_space<hbm>>
        tpu.enqueue_dma source(%dma_start3A_1168 : memref<16x128xf32, #tpu.memory_space<hbm>>) target(%dma_start3A_1166 : memref<16x128xf32, #tpu.memory_space<vmem>>) target_semaphore(%arg8 : memref<!tpu.dma_semaphore, #tpu.memory_space<semaphore_mem>>)
      } else {
      }
      %mul3A_346 = arith.constant 16 : i32
      %mul3A_347 = arith.muli %scan3A_340, %mul3A_346 : i32
      %get3A_348 = arith.index_cast %mul3A_347 : i32 to index
      %get3A_349 = tpu.vector_load %arg5[%get3A_348] {strides = array<i32>} : memref<512xi32, #tpu.memory_space<vmem>>, vector<16xi32>,
      %dma_wait3A = arith.constant 0 : i32
      %dma_wait3A_350 = arith.constant 0 : i32
      %dma_wait3A_351 = arith.constant 0 : i32
      %dma_wait3A_352 = tpu.memref_slice %arg7[%rem3A_341, %dma_wait3A, %dma_wait3A_350, %dma_wait3A_351] : memref<2x16x16x128xf32, #tpu.memory_space<vmem>> -> memref<1x1x16x128xf32, #tpu.memory_space<vmem>>
      %dma_wait3A_353 = tpu.memref_squeeze %dma_wait3A_352 : memref<1x1x16x128xf32, #tpu.memory_space<vmem>> -> memref<16x128xf32, #tpu.memory_space<vmem>>
      %dma_wait3A_354 = arith.constant 0 : i32
      %dma_wait3A_355 = arith.constant 0 : i32
      %dma_wait3A_356 = tpu.memref_slice %arg2[%dma_wait3A_354, %dma_wait3A_355] : memref<16x1000000xf32, #tpu.memory_space<hbm>> -> memref<16x128xf32, #tpu.memory_space<hbm>>
      %dma_wait3A_357 = arith.constant 0 : i32
      %dma_wait3A_358 = arith.constant 0 : i32
      %dma_wait3A_359 = tpu.memref_slice %arg7[%rem3A_341, %dma_wait3A, %dma_wait3A_357, %dma_wait3A_358] : memref<2x16x16x128xf32, #tpu.memory_space<vmem>> -> memref<1x1x16x128xf32, #tpu.memory_space<vmem>>
      %dma_wait3A_360 = tpu.memref_squeeze %dma_wait3A_359 : memref<1x1x16x128xf32, #tpu.memory_space<vmem>> -> memref<16x128xf32, #tpu.memory_space<vmem>>
      %dma_wait3A_361 = arith.constant 0 : i32
      %dma_wait3A_362 = arith.constant 0 : i32
      %dma_wait3A_363 = tpu.memref_slice %arg2[%dma_wait3A_361, %dma_wait3A_362] : memref<16x1000000xf32, #tpu.memory_space<hbm>> -> memref<16x128xf32, #tpu.memory_space<hbm>>
      tpu.wait_dma2 semaphore(%arg8 : memref<!tpu.dma_semaphore, #tpu.memory_space<semaphore_mem>>) src(%dma_wait3A_363 : memref<16x128xf32, #tpu.memory_space<hbm>>) dst(%dma_wait3A_360 : memref<16x128xf32, #tpu.memory_space<vmem>>)
      %dma_wait3A_364 = arith.constant 1 : i32
      %dma_wait3A_365 = arith.constant 0 : i32
      %dma_wait3A_366 = arith.constant 0 : i32
      %dma_wait3A_367 = tpu.memref_slice %arg7[%rem3A_341, %dma_wait3A_364, %dma_wait3A_365, %dma_wait3A_366] : memref<2x16x16x128xf32, #tpu.memory_space<vmem>> -> memref<1x1x16x128xf32, #tpu.memory_space<vmem>>
      %dma_wait3A_368 = tpu.memref_squeeze %dma_wait3A_367 : memref<1x1x16x128xf32, #tpu.memory_space<vmem>> -> memref<16x128xf32, #tpu.memory_space<vmem>>
      %dma_wait3A_369 = arith.constant 0 : i32
      %dma_wait3A_370 = arith.constant 0 : i32
      %dma_wait3A_371 = tpu.memref_slice %arg2[%dma_wait3A_369, %dma_wait3A_370] : memref<16x1000000xf32, #tpu.memory_space<hbm>> -> memref<16x128xf32, #tpu.memory_space<hbm>>
      %dma_wait3A_372 = arith.constant 0 : i32
      %dma_wait3A_373 = arith.constant 0 : i32
      %dma_wait3A_374 = tpu.memref_slice %arg7[%rem3A_341, %dma_wait3A_364, %dma_wait3A_372, %dma_wait3A_373] : memref<2x16x16x128xf32, #tpu.memory_space<vmem>> -> memref<1x1x16x128xf32, #tpu.memory_space<vmem>>
      %dma_wait3A_375 = tpu.memref_squeeze %dma_wait3A_374 : memref<1x1x16x128xf32, #tpu.memory_space<vmem>> -> memref<16x128xf32, #tpu.memory_space<vmem>>
      %dma_wait3A_376 = arith.constant 0 : i32
      %dma_wait3A_377 = arith.constant 0 : i32
      %dma_wait3A_378 = tpu.memref_slice %arg2[%dma_wait3A_376, %dma_wait3A_377] : memref<16x1000000xf32, #tpu.memory_space<hbm>> -> memref<16x128xf32, #tpu.memory_space<hbm>>
      tpu.wait_dma2 semaphore(%arg8 : memref<!tpu.dma_semaphore, #tpu.memory_space<semaphore_mem>>) src(%dma_wait3A_378 : memref<16x128xf32, #tpu.memory_space<hbm>>) dst(%dma_wait3A_375 : memref<16x128xf32, #tpu.memory_space<vmem>>)
      %dma_wait3A_379 = arith.constant 2 : i32
      %dma_wait3A_380 = arith.constant 0 : i32
      %dma_wait3A_381 = arith.constant 0 : i32
      %dma_wait3A_382 = tpu.memref_slice %arg7[%rem3A_341, %dma_wait3A_379, %dma_wait3A_380, %dma_wait3A_381] : memref<2x16x16x128xf32, #tpu.memory_space<vmem>> -> memref<1x1x16x128xf32, #tpu.memory_space<vmem>>
      %dma_wait3A_383 = tpu.memref_squeeze %dma_wait3A_382 : memref<1x1x16x128xf32, #tpu.memory_space<vmem>> -> memref<16x128xf32, #tpu.memory_space<vmem>>
      %dma_wait3A_384 = arith.constant 0 : i32
      %dma_wait3A_385 = arith.constant 0 : i32
      %dma_wait3A_386 = tpu.memref_slice %arg2[%dma_wait3A_384, %dma_wait3A_385] : memref<16x1000000xf32, #tpu.memory_space<hbm>> -> memref<16x128xf32, #tpu.memory_space<hbm>>
      %dma_wait3A_387 = arith.constant 0 : i32
      %dma_wait3A_388 = arith.constant 0 : i32
      %dma_wait3A_389 = tpu.memref_slice %arg7[%rem3A_341, %dma_wait3A_379, %dma_wait3A_387, %dma_wait3A_388] : memref<2x16x16x128xf32, #tpu.memory_space<vmem>> -> memref<1x1x16x128xf32, #tpu.memory_space<vmem>>
      %dma_wait3A_390 = tpu.memref_squeeze %dma_wait3A_389 : memref<1x1x16x128xf32, #tpu.memory_space<vmem>> -> memref<16x128xf32, #tpu.memory_space<vmem>>
      %dma_wait3A_391 = arith.constant 0 : i32
      %dma_wait3A_392 = arith.constant 0 : i32
      %dma_wait3A_393 = tpu.memref_slice %arg2[%dma_wait3A_391, %dma_wait3A_392] : memref<16x1000000xf32, #tpu.memory_space<hbm>> -> memref<16x128xf32, #tpu.memory_space<hbm>>
      tpu.wait_dma2 semaphore(%arg8 : memref<!tpu.dma_semaphore, #tpu.memory_space<semaphore_mem>>) src(%dma_wait3A_393 : memref<16x128xf32, #tpu.memory_space<hbm>>) dst(%dma_wait3A_390 : memref<16x128xf32, #tpu.memory_space<vmem>>)
      %dma_wait3A_394 = arith.constant 3 : i32
      %dma_wait3A_395 = arith.constant 0 : i32
      %dma_wait3A_396 = arith.constant 0 : i32
      %dma_wait3A_397 = tpu.memref_slice %arg7[%rem3A_341, %dma_wait3A_394, %dma_wait3A_395, %dma_wait3A_396] : memref<2x16x16x128xf32, #tpu.memory_space<vmem>> -> memref<1x1x16x128xf32, #tpu.memory_space<vmem>>
      %dma_wait3A_398 = tpu.memref_squeeze %dma_wait3A_397 : memref<1x1x16x128xf32, #tpu.memory_space<vmem>> -> memref<16x128xf32, #tpu.memory_space<vmem>>
      %dma_wait3A_399 = arith.constant 0 : i32
      %dma_wait3A_400 = arith.constant 0 : i32
      %dma_wait3A_401 = tpu.memref_slice %arg2[%dma_wait3A_399, %dma_wait3A_400] : memref<16x1000000xf32, #tpu.memory_space<hbm>> -> memref<16x128xf32, #tpu.memory_space<hbm>>
      %dma_wait3A_402 = arith.constant 0 : i32
      %dma_wait3A_403 = arith.constant 0 : i32
      %dma_wait3A_404 = tpu.memref_slice %arg7[%rem3A_341, %dma_wait3A_394, %dma_wait3A_402, %dma_wait3A_403] : memref<2x16x16x128xf32, #tpu.memory_space<vmem>> -> memref<1x1x16x128xf32, #tpu.memory_space<vmem>>
      %dma_wait3A_405 = tpu.memref_squeeze %dma_wait3A_404 : memref<1x1x16x128xf32, #tpu.memory_space<vmem>> -> memref<16x128xf32, #tpu.memory_space<vmem>>
      %dma_wait3A_406 = arith.constant 0 : i32
      %dma_wait3A_407 = arith.constant 0 : i32
      %dma_wait3A_408 = tpu.memref_slice %arg2[%dma_wait3A_406, %dma_wait3A_407] : memref<16x1000000xf32, #tpu.memory_space<hbm>> -> memref<16x128xf32, #tpu.memory_space<hbm>>
      tpu.wait_dma2 semaphore(%arg8 : memref<!tpu.dma_semaphore, #tpu.memory_space<semaphore_mem>>) src(%dma_wait3A_408 : memref<16x128xf32, #tpu.memory_space<hbm>>) dst(%dma_wait3A_405 : memref<16x128xf32, #tpu.memory_space<vmem>>)
      %dma_wait3A_409 = arith.constant 4 : i32
      %dma_wait3A_410 = arith.constant 0 : i32
      %dma_wait3A_411 = arith.constant 0 : i32
      %dma_wait3A_412 = tpu.memref_slice %arg7[%rem3A_341, %dma_wait3A_409, %dma_wait3A_410, %dma_wait3A_411] : memref<2x16x16x128xf32, #tpu.memory_space<vmem>> -> memref<1x1x16x128xf32, #tpu.memory_space<vmem>>
      %dma_wait3A_413 = tpu.memref_squeeze %dma_wait3A_412 : memref<1x1x16x128xf32, #tpu.memory_space<vmem>> -> memref<16x128xf32, #tpu.memory_space<vmem>>
      %dma_wait3A_414 = arith.constant 0 : i32
      %dma_wait3A_415 = arith.constant 0 : i32
      %dma_wait3A_416 = tpu.memref_slice %arg2[%dma_wait3A_414, %dma_wait3A_415] : memref<16x1000000xf32, #tpu.memory_space<hbm>> -> memref<16x128xf32, #tpu.memory_space<hbm>>
      %dma_wait3A_417 = arith.constant 0 : i32
      %dma_wait3A_418 = arith.constant 0 : i32
      %dma_wait3A_419 = tpu.memref_slice %arg7[%rem3A_341, %dma_wait3A_409, %dma_wait3A_417, %dma_wait3A_418] : memref<2x16x16x128xf32, #tpu.memory_space<vmem>> -> memref<1x1x16x128xf32, #tpu.memory_space<vmem>>
      %dma_wait3A_420 = tpu.memref_squeeze %dma_wait3A_419 : memref<1x1x16x128xf32, #tpu.memory_space<vmem>> -> memref<16x128xf32, #tpu.memory_space<vmem>>
      %dma_wait3A_421 = arith.constant 0 : i32
      %dma_wait3A_422 = arith.constant 0 : i32
      %dma_wait3A_423 = tpu.memref_slice %arg2[%dma_wait3A_421, %dma_wait3A_422] : memref<16x1000000xf32, #tpu.memory_space<hbm>> -> memref<16x128xf32, #tpu.memory_space<hbm>>
      tpu.wait_dma2 semaphore(%arg8 : memref<!tpu.dma_semaphore, #tpu.memory_space<semaphore_mem>>) src(%dma_wait3A_423 : memref<16x128xf32, #tpu.memory_space<hbm>>) dst(%dma_wait3A_420 : memref<16x128xf32, #tpu.memory_space<vmem>>)
      %dma_wait3A_424 = arith.constant 5 : i32
      %dma_wait3A_425 = arith.constant 0 : i32
      %dma_wait3A_426 = arith.constant 0 : i32
      %dma_wait3A_427 = tpu.memref_slice %arg7[%rem3A_341, %dma_wait3A_424, %dma_wait3A_425, %dma_wait3A_426] : memref<2x16x16x128xf32, #tpu.memory_space<vmem>> -> memref<1x1x16x128xf32, #tpu.memory_space<vmem>>
      %dma_wait3A_428 = tpu.memref_squeeze %dma_wait3A_427 : memref<1x1x16x128xf32, #tpu.memory_space<vmem>> -> memref<16x128xf32, #tpu.memory_space<vmem>>
      %dma_wait3A_429 = arith.constant 0 : i32
      %dma_wait3A_430 = arith.constant 0 : i32
      %dma_wait3A_431 = tpu.memref_slice %arg2[%dma_wait3A_429, %dma_wait3A_430] : memref<16x1000000xf32, #tpu.memory_space<hbm>> -> memref<16x128xf32, #tpu.memory_space<hbm>>
      %dma_wait3A_432 = arith.constant 0 : i32
      %dma_wait3A_433 = arith.constant 0 : i32
      %dma_wait3A_434 = tpu.memref_slice %arg7[%rem3A_341, %dma_wait3A_424, %dma_wait3A_432, %dma_wait3A_433] : memref<2x16x16x128xf32, #tpu.memory_space<vmem>> -> memref<1x1x16x128xf32, #tpu.memory_space<vmem>>
      %dma_wait3A_435 = tpu.memref_squeeze %dma_wait3A_434 : memref<1x1x16x128xf32, #tpu.memory_space<vmem>> -> memref<16x128xf32, #tpu.memory_space<vmem>>
      %dma_wait3A_436 = arith.constant 0 : i32
      %dma_wait3A_437 = arith.constant 0 : i32
      %dma_wait3A_438 = tpu.memref_slice %arg2[%dma_wait3A_436, %dma_wait3A_437] : memref<16x1000000xf32, #tpu.memory_space<hbm>> -> memref<16x128xf32, #tpu.memory_space<hbm>>
      tpu.wait_dma2 semaphore(%arg8 : memref<!tpu.dma_semaphore, #tpu.memory_space<semaphore_mem>>) src(%dma_wait3A_438 : memref<16x128xf32, #tpu.memory_space<hbm>>) dst(%dma_wait3A_435 : memref<16x128xf32, #tpu.memory_space<vmem>>)
      %dma_wait3A_439 = arith.constant 6 : i32
      %dma_wait3A_440 = arith.constant 0 : i32
      %dma_wait3A_441 = arith.constant 0 : i32
      %dma_wait3A_442 = tpu.memref_slice %arg7[%rem3A_341, %dma_wait3A_439, %dma_wait3A_440, %dma_wait3A_441] : memref<2x16x16x128xf32, #tpu.memory_space<vmem>> -> memref<1x1x16x128xf32, #tpu.memory_space<vmem>>
      %dma_wait3A_443 = tpu.memref_squeeze %dma_wait3A_442 : memref<1x1x16x128xf32, #tpu.memory_space<vmem>> -> memref<16x128xf32, #tpu.memory_space<vmem>>
      %dma_wait3A_444 = arith.constant 0 : i32
      %dma_wait3A_445 = arith.constant 0 : i32
      %dma_wait3A_446 = tpu.memref_slice %arg2[%dma_wait3A_444, %dma_wait3A_445] : memref<16x1000000xf32, #tpu.memory_space<hbm>> -> memref<16x128xf32, #tpu.memory_space<hbm>>
      %dma_wait3A_447 = arith.constant 0 : i32
      %dma_wait3A_448 = arith.constant 0 : i32
      %dma_wait3A_449 = tpu.memref_slice %arg7[%rem3A_341, %dma_wait3A_439, %dma_wait3A_447, %dma_wait3A_448] : memref<2x16x16x128xf32, #tpu.memory_space<vmem>> -> memref<1x1x16x128xf32, #tpu.memory_space<vmem>>
      %dma_wait3A_450 = tpu.memref_squeeze %dma_wait3A_449 : memref<1x1x16x128xf32, #tpu.memory_space<vmem>> -> memref<16x128xf32, #tpu.memory_space<vmem>>
      %dma_wait3A_451 = arith.constant 0 : i32
      %dma_wait3A_452 = arith.constant 0 : i32
      %dma_wait3A_453 = tpu.memref_slice %arg2[%dma_wait3A_451, %dma_wait3A_452] : memref<16x1000000xf32, #tpu.memory_space<hbm>> -> memref<16x128xf32, #tpu.memory_space<hbm>>
      tpu.wait_dma2 semaphore(%arg8 : memref<!tpu.dma_semaphore, #tpu.memory_space<semaphore_mem>>) src(%dma_wait3A_453 : memref<16x128xf32, #tpu.memory_space<hbm>>) dst(%dma_wait3A_450 : memref<16x128xf32, #tpu.memory_space<vmem>>)
      %dma_wait3A_454 = arith.constant 7 : i32
      %dma_wait3A_455 = arith.constant 0 : i32
      %dma_wait3A_456 = arith.constant 0 : i32
      %dma_wait3A_457 = tpu.memref_slice %arg7[%rem3A_341, %dma_wait3A_454, %dma_wait3A_455, %dma_wait3A_456] : memref<2x16x16x128xf32, #tpu.memory_space<vmem>> -> memref<1x1x16x128xf32, #tpu.memory_space<vmem>>
      %dma_wait3A_458 = tpu.memref_squeeze %dma_wait3A_457 : memref<1x1x16x128xf32, #tpu.memory_space<vmem>> -> memref<16x128xf32, #tpu.memory_space<vmem>>
      %dma_wait3A_459 = arith.constant 0 : i32
      %dma_wait3A_460 = arith.constant 0 : i32
      %dma_wait3A_461 = tpu.memref_slice %arg2[%dma_wait3A_459, %dma_wait3A_460] : memref<16x1000000xf32, #tpu.memory_space<hbm>> -> memref<16x128xf32, #tpu.memory_space<hbm>>
      %dma_wait3A_462 = arith.constant 0 : i32
      %dma_wait3A_463 = arith.constant 0 : i32
      %dma_wait3A_464 = tpu.memref_slice %arg7[%rem3A_341, %dma_wait3A_454, %dma_wait3A_462, %dma_wait3A_463] : memref<2x16x16x128xf32, #tpu.memory_space<vmem>> -> memref<1x1x16x128xf32, #tpu.memory_space<vmem>>
      %dma_wait3A_465 = tpu.memref_squeeze %dma_wait3A_464 : memref<1x1x16x128xf32, #tpu.memory_space<vmem>> -> memref<16x128xf32, #tpu.memory_space<vmem>>
      %dma_wait3A_466 = arith.constant 0 : i32
      %dma_wait3A_467 = arith.constant 0 : i32
      %dma_wait3A_468 = tpu.memref_slice %arg2[%dma_wait3A_466, %dma_wait3A_467] : memref<16x1000000xf32, #tpu.memory_space<hbm>> -> memref<16x128xf32, #tpu.memory_space<hbm>>
      tpu.wait_dma2 semaphore(%arg8 : memref<!tpu.dma_semaphore, #tpu.memory_space<semaphore_mem>>) src(%dma_wait3A_468 : memref<16x128xf32, #tpu.memory_space<hbm>>) dst(%dma_wait3A_465 : memref<16x128xf32, #tpu.memory_space<vmem>>)
      %dma_wait3A_469 = arith.constant 8 : i32
      %dma_wait3A_470 = arith.constant 0 : i32
      %dma_wait3A_471 = arith.constant 0 : i32
      %dma_wait3A_472 = tpu.memref_slice %arg7[%rem3A_341, %dma_wait3A_469, %dma_wait3A_470, %dma_wait3A_471] : memref<2x16x16x128xf32, #tpu.memory_space<vmem>> -> memref<1x1x16x128xf32, #tpu.memory_space<vmem>>
      %dma_wait3A_473 = tpu.memref_squeeze %dma_wait3A_472 : memref<1x1x16x128xf32, #tpu.memory_space<vmem>> -> memref<16x128xf32, #tpu.memory_space<vmem>>
      %dma_wait3A_474 = arith.constant 0 : i32
      %dma_wait3A_475 = arith.constant 0 : i32
      %dma_wait3A_476 = tpu.memref_slice %arg2[%dma_wait3A_474, %dma_wait3A_475] : memref<16x1000000xf32, #tpu.memory_space<hbm>> -> memref<16x128xf32, #tpu.memory_space<hbm>>
      %dma_wait3A_477 = arith.constant 0 : i32
      %dma_wait3A_478 = arith.constant 0 : i32
      %dma_wait3A_479 = tpu.memref_slice %arg7[%rem3A_341, %dma_wait3A_469, %dma_wait3A_477, %dma_wait3A_478] : memref<2x16x16x128xf32, #tpu.memory_space<vmem>> -> memref<1x1x16x128xf32, #tpu.memory_space<vmem>>
      %dma_wait3A_480 = tpu.memref_squeeze %dma_wait3A_479 : memref<1x1x16x128xf32, #tpu.memory_space<vmem>> -> memref<16x128xf32, #tpu.memory_space<vmem>>
      %dma_wait3A_481 = arith.constant 0 : i32
      %dma_wait3A_482 = arith.constant 0 : i32
      %dma_wait3A_483 = tpu.memref_slice %arg2[%dma_wait3A_481, %dma_wait3A_482] : memref<16x1000000xf32, #tpu.memory_space<hbm>> -> memref<16x128xf32, #tpu.memory_space<hbm>>
      tpu.wait_dma2 semaphore(%arg8 : memref<!tpu.dma_semaphore, #tpu.memory_space<semaphore_mem>>) src(%dma_wait3A_483 : memref<16x128xf32, #tpu.memory_space<hbm>>) dst(%dma_wait3A_480 : memref<16x128xf32, #tpu.memory_space<vmem>>)
      %dma_wait3A_484 = arith.constant 9 : i32
      %dma_wait3A_485 = arith.constant 0 : i32
      %dma_wait3A_486 = arith.constant 0 : i32
      %dma_wait3A_487 = tpu.memref_slice %arg7[%rem3A_341, %dma_wait3A_484, %dma_wait3A_485, %dma_wait3A_486] : memref<2x16x16x128xf32, #tpu.memory_space<vmem>> -> memref<1x1x16x128xf32, #tpu.memory_space<vmem>>
      %dma_wait3A_488 = tpu.memref_squeeze %dma_wait3A_487 : memref<1x1x16x128xf32, #tpu.memory_space<vmem>> -> memref<16x128xf32, #tpu.memory_space<vmem>>
      %dma_wait3A_489 = arith.constant 0 : i32
      %dma_wait3A_490 = arith.constant 0 : i32
      %dma_wait3A_491 = tpu.memref_slice %arg2[%dma_wait3A_489, %dma_wait3A_490] : memref<16x1000000xf32, #tpu.memory_space<hbm>> -> memref<16x128xf32, #tpu.memory_space<hbm>>
      %dma_wait3A_492 = arith.constant 0 : i32
      %dma_wait3A_493 = arith.constant 0 : i32
      %dma_wait3A_494 = tpu.memref_slice %arg7[%rem3A_341, %dma_wait3A_484, %dma_wait3A_492, %dma_wait3A_493] : memref<2x16x16x128xf32, #tpu.memory_space<vmem>> -> memref<1x1x16x128xf32, #tpu.memory_space<vmem>>
      %dma_wait3A_495 = tpu.memref_squeeze %dma_wait3A_494 : memref<1x1x16x128xf32, #tpu.memory_space<vmem>> -> memref<16x128xf32, #tpu.memory_space<vmem>>
      %dma_wait3A_496 = arith.constant 0 : i32
      %dma_wait3A_497 = arith.constant 0 : i32
      %dma_wait3A_498 = tpu.memref_slice %arg2[%dma_wait3A_496, %dma_wait3A_497] : memref<16x1000000xf32, #tpu.memory_space<hbm>> -> memref<16x128xf32, #tpu.memory_space<hbm>>
      tpu.wait_dma2 semaphore(%arg8 : memref<!tpu.dma_semaphore, #tpu.memory_space<semaphore_mem>>) src(%dma_wait3A_498 : memref<16x128xf32, #tpu.memory_space<hbm>>) dst(%dma_wait3A_495 : memref<16x128xf32, #tpu.memory_space<vmem>>)
      %dma_wait3A_499 = arith.constant 10 : i32
      %dma_wait3A_500 = arith.constant 0 : i32
      %dma_wait3A_501 = arith.constant 0 : i32
      %dma_wait3A_502 = tpu.memref_slice %arg7[%rem3A_341, %dma_wait3A_499, %dma_wait3A_500, %dma_wait3A_501] : memref<2x16x16x128xf32, #tpu.memory_space<vmem>> -> memref<1x1x16x128xf32, #tpu.memory_space<vmem>>
      %dma_wait3A_503 = tpu.memref_squeeze %dma_wait3A_502 : memref<1x1x16x128xf32, #tpu.memory_space<vmem>> -> memref<16x128xf32, #tpu.memory_space<vmem>>
      %dma_wait3A_504 = arith.constant 0 : i32
      %dma_wait3A_505 = arith.constant 0 : i32
      %dma_wait3A_506 = tpu.memref_slice %arg2[%dma_wait3A_504, %dma_wait3A_505] : memref<16x1000000xf32, #tpu.memory_space<hbm>> -> memref<16x128xf32, #tpu.memory_space<hbm>>
      %dma_wait3A_507 = arith.constant 0 : i32
      %dma_wait3A_508 = arith.constant 0 : i32
      %dma_wait3A_509 = tpu.memref_slice %arg7[%rem3A_341, %dma_wait3A_499, %dma_wait3A_507, %dma_wait3A_508] : memref<2x16x16x128xf32, #tpu.memory_space<vmem>> -> memref<1x1x16x128xf32, #tpu.memory_space<vmem>>
      %dma_wait3A_510 = tpu.memref_squeeze %dma_wait3A_509 : memref<1x1x16x128xf32, #tpu.memory_space<vmem>> -> memref<16x128xf32, #tpu.memory_space<vmem>>
      %dma_wait3A_511 = arith.constant 0 : i32
      %dma_wait3A_512 = arith.constant 0 : i32
      %dma_wait3A_513 = tpu.memref_slice %arg2[%dma_wait3A_511, %dma_wait3A_512] : memref<16x1000000xf32, #tpu.memory_space<hbm>> -> memref<16x128xf32, #tpu.memory_space<hbm>>
      tpu.wait_dma2 semaphore(%arg8 : memref<!tpu.dma_semaphore, #tpu.memory_space<semaphore_mem>>) src(%dma_wait3A_513 : memref<16x128xf32, #tpu.memory_space<hbm>>) dst(%dma_wait3A_510 : memref<16x128xf32, #tpu.memory_space<vmem>>)
      %dma_wait3A_514 = arith.constant 11 : i32
      %dma_wait3A_515 = arith.constant 0 : i32
      %dma_wait3A_516 = arith.constant 0 : i32
      %dma_wait3A_517 = tpu.memref_slice %arg7[%rem3A_341, %dma_wait3A_514, %dma_wait3A_515, %dma_wait3A_516] : memref<2x16x16x128xf32, #tpu.memory_space<vmem>> -> memref<1x1x16x128xf32, #tpu.memory_space<vmem>>
      %dma_wait3A_518 = tpu.memref_squeeze %dma_wait3A_517 : memref<1x1x16x128xf32, #tpu.memory_space<vmem>> -> memref<16x128xf32, #tpu.memory_space<vmem>>
      %dma_wait3A_519 = arith.constant 0 : i32
      %dma_wait3A_520 = arith.constant 0 : i32
      %dma_wait3A_521 = tpu.memref_slice %arg2[%dma_wait3A_519, %dma_wait3A_520] : memref<16x1000000xf32, #tpu.memory_space<hbm>> -> memref<16x128xf32, #tpu.memory_space<hbm>>
      %dma_wait3A_522 = arith.constant 0 : i32
      %dma_wait3A_523 = arith.constant 0 : i32
      %dma_wait3A_524 = tpu.memref_slice %arg7[%rem3A_341, %dma_wait3A_514, %dma_wait3A_522, %dma_wait3A_523] : memref<2x16x16x128xf32, #tpu.memory_space<vmem>> -> memref<1x1x16x128xf32, #tpu.memory_space<vmem>>
      %dma_wait3A_525 = tpu.memref_squeeze %dma_wait3A_524 : memref<1x1x16x128xf32, #tpu.memory_space<vmem>> -> memref<16x128xf32, #tpu.memory_space<vmem>>
      %dma_wait3A_526 = arith.constant 0 : i32
      %dma_wait3A_527 = arith.constant 0 : i32
      %dma_wait3A_528 = tpu.memref_slice %arg2[%dma_wait3A_526, %dma_wait3A_527] : memref<16x1000000xf32, #tpu.memory_space<hbm>> -> memref<16x128xf32, #tpu.memory_space<hbm>>
      tpu.wait_dma2 semaphore(%arg8 : memref<!tpu.dma_semaphore, #tpu.memory_space<semaphore_mem>>) src(%dma_wait3A_528 : memref<16x128xf32, #tpu.memory_space<hbm>>) dst(%dma_wait3A_525 : memref<16x128xf32, #tpu.memory_space<vmem>>)
      %dma_wait3A_529 = arith.constant 12 : i32
      %dma_wait3A_530 = arith.constant 0 : i32
      %dma_wait3A_531 = arith.constant 0 : i32
      %dma_wait3A_532 = tpu.memref_slice %arg7[%rem3A_341, %dma_wait3A_529, %dma_wait3A_530, %dma_wait3A_531] : memref<2x16x16x128xf32, #tpu.memory_space<vmem>> -> memref<1x1x16x128xf32, #tpu.memory_space<vmem>>
      %dma_wait3A_533 = tpu.memref_squeeze %dma_wait3A_532 : memref<1x1x16x128xf32, #tpu.memory_space<vmem>> -> memref<16x128xf32, #tpu.memory_space<vmem>>
      %dma_wait3A_534 = arith.constant 0 : i32
      %dma_wait3A_535 = arith.constant 0 : i32
      %dma_wait3A_536 = tpu.memref_slice %arg2[%dma_wait3A_534, %dma_wait3A_535] : memref<16x1000000xf32, #tpu.memory_space<hbm>> -> memref<16x128xf32, #tpu.memory_space<hbm>>
      %dma_wait3A_537 = arith.constant 0 : i32
      %dma_wait3A_538 = arith.constant 0 : i32
      %dma_wait3A_539 = tpu.memref_slice %arg7[%rem3A_341, %dma_wait3A_529, %dma_wait3A_537, %dma_wait3A_538] : memref<2x16x16x128xf32, #tpu.memory_space<vmem>> -> memref<1x1x16x128xf32, #tpu.memory_space<vmem>>
      %dma_wait3A_540 = tpu.memref_squeeze %dma_wait3A_539 : memref<1x1x16x128xf32, #tpu.memory_space<vmem>> -> memref<16x128xf32, #tpu.memory_space<vmem>>
      %dma_wait3A_541 = arith.constant 0 : i32
      %dma_wait3A_542 = arith.constant 0 : i32
      %dma_wait3A_543 = tpu.memref_slice %arg2[%dma_wait3A_541, %dma_wait3A_542] : memref<16x1000000xf32, #tpu.memory_space<hbm>> -> memref<16x128xf32, #tpu.memory_space<hbm>>
      tpu.wait_dma2 semaphore(%arg8 : memref<!tpu.dma_semaphore, #tpu.memory_space<semaphore_mem>>) src(%dma_wait3A_543 : memref<16x128xf32, #tpu.memory_space<hbm>>) dst(%dma_wait3A_540 : memref<16x128xf32, #tpu.memory_space<vmem>>)
      %dma_wait3A_544 = arith.constant 13 : i32
      %dma_wait3A_545 = arith.constant 0 : i32
      %dma_wait3A_546 = arith.constant 0 : i32
      %dma_wait3A_547 = tpu.memref_slice %arg7[%rem3A_341, %dma_wait3A_544, %dma_wait3A_545, %dma_wait3A_546] : memref<2x16x16x128xf32, #tpu.memory_space<vmem>> -> memref<1x1x16x128xf32, #tpu.memory_space<vmem>>
      %dma_wait3A_548 = tpu.memref_squeeze %dma_wait3A_547 : memref<1x1x16x128xf32, #tpu.memory_space<vmem>> -> memref<16x128xf32, #tpu.memory_space<vmem>>
      %dma_wait3A_549 = arith.constant 0 : i32
      %dma_wait3A_550 = arith.constant 0 : i32
      %dma_wait3A_551 = tpu.memref_slice %arg2[%dma_wait3A_549, %dma_wait3A_550] : memref<16x1000000xf32, #tpu.memory_space<hbm>> -> memref<16x128xf32, #tpu.memory_space<hbm>>
      %dma_wait3A_552 = arith.constant 0 : i32
      %dma_wait3A_553 = arith.constant 0 : i32
      %dma_wait3A_554 = tpu.memref_slice %arg7[%rem3A_341, %dma_wait3A_544, %dma_wait3A_552, %dma_wait3A_553] : memref<2x16x16x128xf32, #tpu.memory_space<vmem>> -> memref<1x1x16x128xf32, #tpu.memory_space<vmem>>
      %dma_wait3A_555 = tpu.memref_squeeze %dma_wait3A_554 : memref<1x1x16x128xf32, #tpu.memory_space<vmem>> -> memref<16x128xf32, #tpu.memory_space<vmem>>
      %dma_wait3A_556 = arith.constant 0 : i32
      %dma_wait3A_557 = arith.constant 0 : i32
      %dma_wait3A_558 = tpu.memref_slice %arg2[%dma_wait3A_556, %dma_wait3A_557] : memref<16x1000000xf32, #tpu.memory_space<hbm>> -> memref<16x128xf32, #tpu.memory_space<hbm>>
      tpu.wait_dma2 semaphore(%arg8 : memref<!tpu.dma_semaphore, #tpu.memory_space<semaphore_mem>>) src(%dma_wait3A_558 : memref<16x128xf32, #tpu.memory_space<hbm>>) dst(%dma_wait3A_555 : memref<16x128xf32, #tpu.memory_space<vmem>>)
      %dma_wait3A_559 = arith.constant 14 : i32
      %dma_wait3A_560 = arith.constant 0 : i32
      %dma_wait3A_561 = arith.constant 0 : i32
      %dma_wait3A_562 = tpu.memref_slice %arg7[%rem3A_341, %dma_wait3A_559, %dma_wait3A_560, %dma_wait3A_561] : memref<2x16x16x128xf32, #tpu.memory_space<vmem>> -> memref<1x1x16x128xf32, #tpu.memory_space<vmem>>
      %dma_wait3A_563 = tpu.memref_squeeze %dma_wait3A_562 : memref<1x1x16x128xf32, #tpu.memory_space<vmem>> -> memref<16x128xf32, #tpu.memory_space<vmem>>
      %dma_wait3A_564 = arith.constant 0 : i32
      %dma_wait3A_565 = arith.constant 0 : i32
      %dma_wait3A_566 = tpu.memref_slice %arg2[%dma_wait3A_564, %dma_wait3A_565] : memref<16x1000000xf32, #tpu.memory_space<hbm>> -> memref<16x128xf32, #tpu.memory_space<hbm>>
      %dma_wait3A_567 = arith.constant 0 : i32
      %dma_wait3A_568 = arith.constant 0 : i32
      %dma_wait3A_569 = tpu.memref_slice %arg7[%rem3A_341, %dma_wait3A_559, %dma_wait3A_567, %dma_wait3A_568] : memref<2x16x16x128xf32, #tpu.memory_space<vmem>> -> memref<1x1x16x128xf32, #tpu.memory_space<vmem>>
      %dma_wait3A_570 = tpu.memref_squeeze %dma_wait3A_569 : memref<1x1x16x128xf32, #tpu.memory_space<vmem>> -> memref<16x128xf32, #tpu.memory_space<vmem>>
      %dma_wait3A_571 = arith.constant 0 : i32
      %dma_wait3A_572 = arith.constant 0 : i32
      %dma_wait3A_573 = tpu.memref_slice %arg2[%dma_wait3A_571, %dma_wait3A_572] : memref<16x1000000xf32, #tpu.memory_space<hbm>> -> memref<16x128xf32, #tpu.memory_space<hbm>>
      tpu.wait_dma2 semaphore(%arg8 : memref<!tpu.dma_semaphore, #tpu.memory_space<semaphore_mem>>) src(%dma_wait3A_573 : memref<16x128xf32, #tpu.memory_space<hbm>>) dst(%dma_wait3A_570 : memref<16x128xf32, #tpu.memory_space<vmem>>)
      %dma_wait3A_574 = arith.constant 15 : i32
      %dma_wait3A_575 = arith.constant 0 : i32
      %dma_wait3A_576 = arith.constant 0 : i32
      %dma_wait3A_577 = tpu.memref_slice %arg7[%rem3A_341, %dma_wait3A_574, %dma_wait3A_575, %dma_wait3A_576] : memref<2x16x16x128xf32, #tpu.memory_space<vmem>> -> memref<1x1x16x128xf32, #tpu.memory_space<vmem>>
      %dma_wait3A_578 = tpu.memref_squeeze %dma_wait3A_577 : memref<1x1x16x128xf32, #tpu.memory_space<vmem>> -> memref<16x128xf32, #tpu.memory_space<vmem>>
      %dma_wait3A_579 = arith.constant 0 : i32
      %dma_wait3A_580 = arith.constant 0 : i32
      %dma_wait3A_581 = tpu.memref_slice %arg2[%dma_wait3A_579, %dma_wait3A_580] : memref<16x1000000xf32, #tpu.memory_space<hbm>> -> memref<16x128xf32, #tpu.memory_space<hbm>>
      %dma_wait3A_582 = arith.constant 0 : i32
      %dma_wait3A_583 = arith.constant 0 : i32
      %dma_wait3A_584 = tpu.memref_slice %arg7[%rem3A_341, %dma_wait3A_574, %dma_wait3A_582, %dma_wait3A_583] : memref<2x16x16x128xf32, #tpu.memory_space<vmem>> -> memref<1x1x16x128xf32, #tpu.memory_space<vmem>>
      %dma_wait3A_585 = tpu.memref_squeeze %dma_wait3A_584 : memref<1x1x16x128xf32, #tpu.memory_space<vmem>> -> memref<16x128xf32, #tpu.memory_space<vmem>>
      %dma_wait3A_586 = arith.constant 0 : i32
      %dma_wait3A_587 = arith.constant 0 : i32
      %dma_wait3A_588 = tpu.memref_slice %arg2[%dma_wait3A_586, %dma_wait3A_587] : memref<16x1000000xf32, #tpu.memory_space<hbm>> -> memref<16x128xf32, #tpu.memory_space<hbm>>
      tpu.wait_dma2 semaphore(%arg8 : memref<!tpu.dma_semaphore, #tpu.memory_space<semaphore_mem>>) src(%dma_wait3A_588 : memref<16x128xf32, #tpu.memory_space<hbm>>) dst(%dma_wait3A_585 : memref<16x128xf32, #tpu.memory_space<vmem>>)
      %slice3A_589 = vector.extract_strided_slice %get3A_349 {offsets = [0], sizes = [1], strides = [1]} : vector<16xi32> to vector<1xi32>
      %squeeze3A_590 = vector.extract %slice3A_589[0] : i32 from vector<1xi32>
      %and3A = arith.constant 127 : i32
      %and3A_591 = arith.andi %squeeze3A_590, %and3A : i32
      %broadcast_in_dim3A = vector.broadcast %and3A_591 : i32 to vector<16xi32>
      %gather3A = arith.constant 0 : i32
      %gather3A_592 = arith.constant 0 : i32
      %gather3A_593 = arith.constant 0 : i32
      %gather3A_594 = tpu.memref_slice %arg7[%rem3A_341, %gather3A, %gather3A_592, %gather3A_593] : memref<2x16x16x128xf32, #tpu.memory_space<vmem>> -> memref<1x1x16x128xf32, #tpu.memory_space<vmem>>
      %gather3A_595 = tpu.memref_squeeze %gather3A_594 : memref<1x1x16x128xf32, #tpu.memory_space<vmem>> -> memref<16x128xf32, #tpu.memory_space<vmem>>
      %gather3A_596 = tpu.vector_load_idx %gather3A_595[%iota3A, %broadcast_in_dim3A] : memref<16x128xf32, #tpu.memory_space<vmem>>[vector<16xi32>, vector<16xi32>], vector<16xf32>,
      %mul3A_597 = arith.constant 16 : i32
      %mul3A_598 = arith.muli %scan3A_340, %mul3A_597 : i32
      %add3A_599 = arith.constant 0 : i32
      %add3A_600 = arith.addi %mul3A_598, %add3A_599 : i32
      %broadcast_in_dim3A_601 = vector.broadcast %add3A_600 : i32 to vector<16xi32>
      tpu.vector_store_idx %arg6[%iota3A, %broadcast_in_dim3A_601], %gather3A_596 : memref<16x512xf32, #tpu.memory_space<vmem>>[vector<16xi32>, vector<16xi32>], vector<16xf32>,
      %slice3A_602 = vector.extract_strided_slice %get3A_349 {offsets = [1], sizes = [1], strides = [1]} : vector<16xi32> to vector<1xi32>
      %squeeze3A_603 = vector.extract %slice3A_602[0] : i32 from vector<1xi32>
      %and3A_604 = arith.constant 127 : i32
      %and3A_605 = arith.andi %squeeze3A_603, %and3A_604 : i32
      %broadcast_in_dim3A_606 = vector.broadcast %and3A_605 : i32 to vector<16xi32>
      %gather3A_607 = arith.constant 1 : i32
      %gather3A_608 = arith.constant 0 : i32
      %gather3A_609 = arith.constant 0 : i32
      %gather3A_610 = tpu.memref_slice %arg7[%rem3A_341, %gather3A_607, %gather3A_608, %gather3A_609] : memref<2x16x16x128xf32, #tpu.memory_space<vmem>> -> memref<1x1x16x128xf32, #tpu.memory_space<vmem>>
      %gather3A_611 = tpu.memref_squeeze %gather3A_610 : memref<1x1x16x128xf32, #tpu.memory_space<vmem>> -> memref<16x128xf32, #tpu.memory_space<vmem>>
      %gather3A_612 = tpu.vector_load_idx %gather3A_611[%iota3A, %broadcast_in_dim3A_606] : memref<16x128xf32, #tpu.memory_space<vmem>>[vector<16xi32>, vector<16xi32>], vector<16xf32>,
      %mul3A_613 = arith.constant 16 : i32
      %mul3A_614 = arith.muli %scan3A_340, %mul3A_613 : i32
      %add3A_615 = arith.constant 1 : i32
      %add3A_616 = arith.addi %mul3A_614, %add3A_615 : i32
      %broadcast_in_dim3A_617 = vector.broadcast %add3A_616 : i32 to vector<16xi32>
      tpu.vector_store_idx %arg6[%iota3A, %broadcast_in_dim3A_617], %gather3A_612 : memref<16x512xf32, #tpu.memory_space<vmem>>[vector<16xi32>, vector<16xi32>], vector<16xf32>,
      %slice3A_618 = vector.extract_strided_slice %get3A_349 {offsets = [2], sizes = [1], strides = [1]} : vector<16xi32> to vector<1xi32>
      %squeeze3A_619 = vector.extract %slice3A_618[0] : i32 from vector<1xi32>
      %and3A_620 = arith.constant 127 : i32
      %and3A_621 = arith.andi %squeeze3A_619, %and3A_620 : i32
      %broadcast_in_dim3A_622 = vector.broadcast %and3A_621 : i32 to vector<16xi32>
      %gather3A_623 = arith.constant 2 : i32
      %gather3A_624 = arith.constant 0 : i32
      %gather3A_625 = arith.constant 0 : i32
      %gather3A_626 = tpu.memref_slice %arg7[%rem3A_341, %gather3A_623, %gather3A_624, %gather3A_625] : memref<2x16x16x128xf32, #tpu.memory_space<vmem>> -> memref<1x1x16x128xf32, #tpu.memory_space<vmem>>
      %gather3A_627 = tpu.memref_squeeze %gather3A_626 : memref<1x1x16x128xf32, #tpu.memory_space<vmem>> -> memref<16x128xf32, #tpu.memory_space<vmem>>
      %gather3A_628 = tpu.vector_load_idx %gather3A_627[%iota3A, %broadcast_in_dim3A_622] : memref<16x128xf32, #tpu.memory_space<vmem>>[vector<16xi32>, vector<16xi32>], vector<16xf32>,
      %mul3A_629 = arith.constant 16 : i32
      %mul3A_630 = arith.muli %scan3A_340, %mul3A_629 : i32
      %add3A_631 = arith.constant 2 : i32
      %add3A_632 = arith.addi %mul3A_630, %add3A_631 : i32
      %broadcast_in_dim3A_633 = vector.broadcast %add3A_632 : i32 to vector<16xi32>
      tpu.vector_store_idx %arg6[%iota3A, %broadcast_in_dim3A_633], %gather3A_628 : memref<16x512xf32, #tpu.memory_space<vmem>>[vector<16xi32>, vector<16xi32>], vector<16xf32>,
      %slice3A_634 = vector.extract_strided_slice %get3A_349 {offsets = [3], sizes = [1], strides = [1]} : vector<16xi32> to vector<1xi32>
      %squeeze3A_635 = vector.extract %slice3A_634[0] : i32 from vector<1xi32>
      %and3A_636 = arith.constant 127 : i32
      %and3A_637 = arith.andi %squeeze3A_635, %and3A_636 : i32
      %broadcast_in_dim3A_638 = vector.broadcast %and3A_637 : i32 to vector<16xi32>
      %gather3A_639 = arith.constant 3 : i32
      %gather3A_640 = arith.constant 0 : i32
      %gather3A_641 = arith.constant 0 : i32
      %gather3A_642 = tpu.memref_slice %arg7[%rem3A_341, %gather3A_639, %gather3A_640, %gather3A_641] : memref<2x16x16x128xf32, #tpu.memory_space<vmem>> -> memref<1x1x16x128xf32, #tpu.memory_space<vmem>>
      %gather3A_643 = tpu.memref_squeeze %gather3A_642 : memref<1x1x16x128xf32, #tpu.memory_space<vmem>> -> memref<16x128xf32, #tpu.memory_space<vmem>>
      %gather3A_644 = tpu.vector_load_idx %gather3A_643[%iota3A, %broadcast_in_dim3A_638] : memref<16x128xf32, #tpu.memory_space<vmem>>[vector<16xi32>, vector<16xi32>], vector<16xf32>,
      %mul3A_645 = arith.constant 16 : i32
      %mul3A_646 = arith.muli %scan3A_340, %mul3A_645 : i32
      %add3A_647 = arith.constant 3 : i32
      %add3A_648 = arith.addi %mul3A_646, %add3A_647 : i32
      %broadcast_in_dim3A_649 = vector.broadcast %add3A_648 : i32 to vector<16xi32>
      tpu.vector_store_idx %arg6[%iota3A, %broadcast_in_dim3A_649], %gather3A_644 : memref<16x512xf32, #tpu.memory_space<vmem>>[vector<16xi32>, vector<16xi32>], vector<16xf32>,
      %slice3A_650 = vector.extract_strided_slice %get3A_349 {offsets = [4], sizes = [1], strides = [1]} : vector<16xi32> to vector<1xi32>
      %squeeze3A_651 = vector.extract %slice3A_650[0] : i32 from vector<1xi32>
      %and3A_652 = arith.constant 127 : i32
      %and3A_653 = arith.andi %squeeze3A_651, %and3A_652 : i32
      %broadcast_in_dim3A_654 = vector.broadcast %and3A_653 : i32 to vector<16xi32>
      %gather3A_655 = arith.constant 4 : i32
      %gather3A_656 = arith.constant 0 : i32
      %gather3A_657 = arith.constant 0 : i32
      %gather3A_658 = tpu.memref_slice %arg7[%rem3A_341, %gather3A_655, %gather3A_656, %gather3A_657] : memref<2x16x16x128xf32, #tpu.memory_space<vmem>> -> memref<1x1x16x128xf32, #tpu.memory_space<vmem>>
      %gather3A_659 = tpu.memref_squeeze %gather3A_658 : memref<1x1x16x128xf32, #tpu.memory_space<vmem>> -> memref<16x128xf32, #tpu.memory_space<vmem>>
      %gather3A_660 = tpu.vector_load_idx %gather3A_659[%iota3A, %broadcast_in_dim3A_654] : memref<16x128xf32, #tpu.memory_space<vmem>>[vector<16xi32>, vector<16xi32>], vector<16xf32>,
      %mul3A_661 = arith.constant 16 : i32
      %mul3A_662 = arith.muli %scan3A_340, %mul3A_661 : i32
      %add3A_663 = arith.constant 4 : i32
      %add3A_664 = arith.addi %mul3A_662, %add3A_663 : i32
      %broadcast_in_dim3A_665 = vector.broadcast %add3A_664 : i32 to vector<16xi32>
      tpu.vector_store_idx %arg6[%iota3A, %broadcast_in_dim3A_665], %gather3A_660 : memref<16x512xf32, #tpu.memory_space<vmem>>[vector<16xi32>, vector<16xi32>], vector<16xf32>,
      %slice3A_666 = vector.extract_strided_slice %get3A_349 {offsets = [5], sizes = [1], strides = [1]} : vector<16xi32> to vector<1xi32>
      %squeeze3A_667 = vector.extract %slice3A_666[0] : i32 from vector<1xi32>
      %and3A_668 = arith.constant 127 : i32
      %and3A_669 = arith.andi %squeeze3A_667, %and3A_668 : i32
      %broadcast_in_dim3A_670 = vector.broadcast %and3A_669 : i32 to vector<16xi32>
      %gather3A_671 = arith.constant 5 : i32
      %gather3A_672 = arith.constant 0 : i32
      %gather3A_673 = arith.constant 0 : i32
      %gather3A_674 = tpu.memref_slice %arg7[%rem3A_341, %gather3A_671, %gather3A_672, %gather3A_673] : memref<2x16x16x128xf32, #tpu.memory_space<vmem>> -> memref<1x1x16x128xf32, #tpu.memory_space<vmem>>
      %gather3A_675 = tpu.memref_squeeze %gather3A_674 : memref<1x1x16x128xf32, #tpu.memory_space<vmem>> -> memref<16x128xf32, #tpu.memory_space<vmem>>
      %gather3A_676 = tpu.vector_load_idx %gather3A_675[%iota3A, %broadcast_in_dim3A_670] : memref<16x128xf32, #tpu.memory_space<vmem>>[vector<16xi32>, vector<16xi32>], vector<16xf32>,
      %mul3A_677 = arith.constant 16 : i32
      %mul3A_678 = arith.muli %scan3A_340, %mul3A_677 : i32
      %add3A_679 = arith.constant 5 : i32
      %add3A_680 = arith.addi %mul3A_678, %add3A_679 : i32
      %broadcast_in_dim3A_681 = vector.broadcast %add3A_680 : i32 to vector<16xi32>
      tpu.vector_store_idx %arg6[%iota3A, %broadcast_in_dim3A_681], %gather3A_676 : memref<16x512xf32, #tpu.memory_space<vmem>>[vector<16xi32>, vector<16xi32>], vector<16xf32>,
      %slice3A_682 = vector.extract_strided_slice %get3A_349 {offsets = [6], sizes = [1], strides = [1]} : vector<16xi32> to vector<1xi32>
      %squeeze3A_683 = vector.extract %slice3A_682[0] : i32 from vector<1xi32>
      %and3A_684 = arith.constant 127 : i32
      %and3A_685 = arith.andi %squeeze3A_683, %and3A_684 : i32
      %broadcast_in_dim3A_686 = vector.broadcast %and3A_685 : i32 to vector<16xi32>
      %gather3A_687 = arith.constant 6 : i32
      %gather3A_688 = arith.constant 0 : i32
      %gather3A_689 = arith.constant 0 : i32
      %gather3A_690 = tpu.memref_slice %arg7[%rem3A_341, %gather3A_687, %gather3A_688, %gather3A_689] : memref<2x16x16x128xf32, #tpu.memory_space<vmem>> -> memref<1x1x16x128xf32, #tpu.memory_space<vmem>>
      %gather3A_691 = tpu.memref_squeeze %gather3A_690 : memref<1x1x16x128xf32, #tpu.memory_space<vmem>> -> memref<16x128xf32, #tpu.memory_space<vmem>>
      %gather3A_692 = tpu.vector_load_idx %gather3A_691[%iota3A, %broadcast_in_dim3A_686] : memref<16x128xf32, #tpu.memory_space<vmem>>[vector<16xi32>, vector<16xi32>], vector<16xf32>,
      %mul3A_693 = arith.constant 16 : i32
      %mul3A_694 = arith.muli %scan3A_340, %mul3A_693 : i32
      %add3A_695 = arith.constant 6 : i32
      %add3A_696 = arith.addi %mul3A_694, %add3A_695 : i32
      %broadcast_in_dim3A_697 = vector.broadcast %add3A_696 : i32 to vector<16xi32>
      tpu.vector_store_idx %arg6[%iota3A, %broadcast_in_dim3A_697], %gather3A_692 : memref<16x512xf32, #tpu.memory_space<vmem>>[vector<16xi32>, vector<16xi32>], vector<16xf32>,
      %slice3A_698 = vector.extract_strided_slice %get3A_349 {offsets = [7], sizes = [1], strides = [1]} : vector<16xi32> to vector<1xi32>
      %squeeze3A_699 = vector.extract %slice3A_698[0] : i32 from vector<1xi32>
      %and3A_700 = arith.constant 127 : i32
      %and3A_701 = arith.andi %squeeze3A_699, %and3A_700 : i32
      %broadcast_in_dim3A_702 = vector.broadcast %and3A_701 : i32 to vector<16xi32>
      %gather3A_703 = arith.constant 7 : i32
      %gather3A_704 = arith.constant 0 : i32
      %gather3A_705 = arith.constant 0 : i32
      %gather3A_706 = tpu.memref_slice %arg7[%rem3A_341, %gather3A_703, %gather3A_704, %gather3A_705] : memref<2x16x16x128xf32, #tpu.memory_space<vmem>> -> memref<1x1x16x128xf32, #tpu.memory_space<vmem>>
      %gather3A_707 = tpu.memref_squeeze %gather3A_706 : memref<1x1x16x128xf32, #tpu.memory_space<vmem>> -> memref<16x128xf32, #tpu.memory_space<vmem>>
      %gather3A_708 = tpu.vector_load_idx %gather3A_707[%iota3A, %broadcast_in_dim3A_702] : memref<16x128xf32, #tpu.memory_space<vmem>>[vector<16xi32>, vector<16xi32>], vector<16xf32>,
      %mul3A_709 = arith.constant 16 : i32
      %mul3A_710 = arith.muli %scan3A_340, %mul3A_709 : i32
      %add3A_711 = arith.constant 7 : i32
      %add3A_712 = arith.addi %mul3A_710, %add3A_711 : i32
      %broadcast_in_dim3A_713 = vector.broadcast %add3A_712 : i32 to vector<16xi32>
      tpu.vector_store_idx %arg6[%iota3A, %broadcast_in_dim3A_713], %gather3A_708 : memref<16x512xf32, #tpu.memory_space<vmem>>[vector<16xi32>, vector<16xi32>], vector<16xf32>,
      %slice3A_714 = vector.extract_strided_slice %get3A_349 {offsets = [8], sizes = [1], strides = [1]} : vector<16xi32> to vector<1xi32>
      %squeeze3A_715 = vector.extract %slice3A_714[0] : i32 from vector<1xi32>
      %and3A_716 = arith.constant 127 : i32
      %and3A_717 = arith.andi %squeeze3A_715, %and3A_716 : i32
      %broadcast_in_dim3A_718 = vector.broadcast %and3A_717 : i32 to vector<16xi32>
      %gather3A_719 = arith.constant 8 : i32
      %gather3A_720 = arith.constant 0 : i32
      %gather3A_721 = arith.constant 0 : i32
      %gather3A_722 = tpu.memref_slice %arg7[%rem3A_341, %gather3A_719, %gather3A_720, %gather3A_721] : memref<2x16x16x128xf32, #tpu.memory_space<vmem>> -> memref<1x1x16x128xf32, #tpu.memory_space<vmem>>
      %gather3A_723 = tpu.memref_squeeze %gather3A_722 : memref<1x1x16x128xf32, #tpu.memory_space<vmem>> -> memref<16x128xf32, #tpu.memory_space<vmem>>
      %gather3A_724 = tpu.vector_load_idx %gather3A_723[%iota3A, %broadcast_in_dim3A_718] : memref<16x128xf32, #tpu.memory_space<vmem>>[vector<16xi32>, vector<16xi32>], vector<16xf32>,
      %mul3A_725 = arith.constant 16 : i32
      %mul3A_726 = arith.muli %scan3A_340, %mul3A_725 : i32
      %add3A_727 = arith.constant 8 : i32
      %add3A_728 = arith.addi %mul3A_726, %add3A_727 : i32
      %broadcast_in_dim3A_729 = vector.broadcast %add3A_728 : i32 to vector<16xi32>
      tpu.vector_store_idx %arg6[%iota3A, %broadcast_in_dim3A_729], %gather3A_724 : memref<16x512xf32, #tpu.memory_space<vmem>>[vector<16xi32>, vector<16xi32>], vector<16xf32>,
      %slice3A_730 = vector.extract_strided_slice %get3A_349 {offsets = [9], sizes = [1], strides = [1]} : vector<16xi32> to vector<1xi32>
      %squeeze3A_731 = vector.extract %slice3A_730[0] : i32 from vector<1xi32>
      %and3A_732 = arith.constant 127 : i32
      %and3A_733 = arith.andi %squeeze3A_731, %and3A_732 : i32
      %broadcast_in_dim3A_734 = vector.broadcast %and3A_733 : i32 to vector<16xi32>
      %gather3A_735 = arith.constant 9 : i32
      %gather3A_736 = arith.constant 0 : i32
      %gather3A_737 = arith.constant 0 : i32
      %gather3A_738 = tpu.memref_slice %arg7[%rem3A_341, %gather3A_735, %gather3A_736, %gather3A_737] : memref<2x16x16x128xf32, #tpu.memory_space<vmem>> -> memref<1x1x16x128xf32, #tpu.memory_space<vmem>>
      %gather3A_739 = tpu.memref_squeeze %gather3A_738 : memref<1x1x16x128xf32, #tpu.memory_space<vmem>> -> memref<16x128xf32, #tpu.memory_space<vmem>>
      %gather3A_740 = tpu.vector_load_idx %gather3A_739[%iota3A, %broadcast_in_dim3A_734] : memref<16x128xf32, #tpu.memory_space<vmem>>[vector<16xi32>, vector<16xi32>], vector<16xf32>,
      %mul3A_741 = arith.constant 16 : i32
      %mul3A_742 = arith.muli %scan3A_340, %mul3A_741 : i32
      %add3A_743 = arith.constant 9 : i32
      %add3A_744 = arith.addi %mul3A_742, %add3A_743 : i32
      %broadcast_in_dim3A_745 = vector.broadcast %add3A_744 : i32 to vector<16xi32>
      tpu.vector_store_idx %arg6[%iota3A, %broadcast_in_dim3A_745], %gather3A_740 : memref<16x512xf32, #tpu.memory_space<vmem>>[vector<16xi32>, vector<16xi32>], vector<16xf32>,
      %slice3A_746 = vector.extract_strided_slice %get3A_349 {offsets = [10], sizes = [1], strides = [1]} : vector<16xi32> to vector<1xi32>
      %squeeze3A_747 = vector.extract %slice3A_746[0] : i32 from vector<1xi32>
      %and3A_748 = arith.constant 127 : i32
      %and3A_749 = arith.andi %squeeze3A_747, %and3A_748 : i32
      %broadcast_in_dim3A_750 = vector.broadcast %and3A_749 : i32 to vector<16xi32>
      %gather3A_751 = arith.constant 10 : i32
      %gather3A_752 = arith.constant 0 : i32
      %gather3A_753 = arith.constant 0 : i32
      %gather3A_754 = tpu.memref_slice %arg7[%rem3A_341, %gather3A_751, %gather3A_752, %gather3A_753] : memref<2x16x16x128xf32, #tpu.memory_space<vmem>> -> memref<1x1x16x128xf32, #tpu.memory_space<vmem>>
      %gather3A_755 = tpu.memref_squeeze %gather3A_754 : memref<1x1x16x128xf32, #tpu.memory_space<vmem>> -> memref<16x128xf32, #tpu.memory_space<vmem>>
      %gather3A_756 = tpu.vector_load_idx %gather3A_755[%iota3A, %broadcast_in_dim3A_750] : memref<16x128xf32, #tpu.memory_space<vmem>>[vector<16xi32>, vector<16xi32>], vector<16xf32>,
      %mul3A_757 = arith.constant 16 : i32
      %mul3A_758 = arith.muli %scan3A_340, %mul3A_757 : i32
      %add3A_759 = arith.constant 10 : i32
      %add3A_760 = arith.addi %mul3A_758, %add3A_759 : i32
      %broadcast_in_dim3A_761 = vector.broadcast %add3A_760 : i32 to vector<16xi32>
      tpu.vector_store_idx %arg6[%iota3A, %broadcast_in_dim3A_761], %gather3A_756 : memref<16x512xf32, #tpu.memory_space<vmem>>[vector<16xi32>, vector<16xi32>], vector<16xf32>,
      %slice3A_762 = vector.extract_strided_slice %get3A_349 {offsets = [11], sizes = [1], strides = [1]} : vector<16xi32> to vector<1xi32>
      %squeeze3A_763 = vector.extract %slice3A_762[0] : i32 from vector<1xi32>
      %and3A_764 = arith.constant 127 : i32
      %and3A_765 = arith.andi %squeeze3A_763, %and3A_764 : i32
      %broadcast_in_dim3A_766 = vector.broadcast %and3A_765 : i32 to vector<16xi32>
      %gather3A_767 = arith.constant 11 : i32
      %gather3A_768 = arith.constant 0 : i32
      %gather3A_769 = arith.constant 0 : i32
      %gather3A_770 = tpu.memref_slice %arg7[%rem3A_341, %gather3A_767, %gather3A_768, %gather3A_769] : memref<2x16x16x128xf32, #tpu.memory_space<vmem>> -> memref<1x1x16x128xf32, #tpu.memory_space<vmem>>
      %gather3A_771 = tpu.memref_squeeze %gather3A_770 : memref<1x1x16x128xf32, #tpu.memory_space<vmem>> -> memref<16x128xf32, #tpu.memory_space<vmem>>
      %gather3A_772 = tpu.vector_load_idx %gather3A_771[%iota3A, %broadcast_in_dim3A_766] : memref<16x128xf32, #tpu.memory_space<vmem>>[vector<16xi32>, vector<16xi32>], vector<16xf32>,
      %mul3A_773 = arith.constant 16 : i32
      %mul3A_774 = arith.muli %scan3A_340, %mul3A_773 : i32
      %add3A_775 = arith.constant 11 : i32
      %add3A_776 = arith.addi %mul3A_774, %add3A_775 : i32
      %broadcast_in_dim3A_777 = vector.broadcast %add3A_776 : i32 to vector<16xi32>
      tpu.vector_store_idx %arg6[%iota3A, %broadcast_in_dim3A_777], %gather3A_772 : memref<16x512xf32, #tpu.memory_space<vmem>>[vector<16xi32>, vector<16xi32>], vector<16xf32>,
      %slice3A_778 = vector.extract_strided_slice %get3A_349 {offsets = [12], sizes = [1], strides = [1]} : vector<16xi32> to vector<1xi32>
      %squeeze3A_779 = vector.extract %slice3A_778[0] : i32 from vector<1xi32>
      %and3A_780 = arith.constant 127 : i32
      %and3A_781 = arith.andi %squeeze3A_779, %and3A_780 : i32
      %broadcast_in_dim3A_782 = vector.broadcast %and3A_781 : i32 to vector<16xi32>
      %gather3A_783 = arith.constant 12 : i32
      %gather3A_784 = arith.constant 0 : i32
      %gather3A_785 = arith.constant 0 : i32
      %gather3A_786 = tpu.memref_slice %arg7[%rem3A_341, %gather3A_783, %gather3A_784, %gather3A_785] : memref<2x16x16x128xf32, #tpu.memory_space<vmem>> -> memref<1x1x16x128xf32, #tpu.memory_space<vmem>>
      %gather3A_787 = tpu.memref_squeeze %gather3A_786 : memref<1x1x16x128xf32, #tpu.memory_space<vmem>> -> memref<16x128xf32, #tpu.memory_space<vmem>>
      %gather3A_788 = tpu.vector_load_idx %gather3A_787[%iota3A, %broadcast_in_dim3A_782] : memref<16x128xf32, #tpu.memory_space<vmem>>[vector<16xi32>, vector<16xi32>], vector<16xf32>,
      %mul3A_789 = arith.constant 16 : i32
      %mul3A_790 = arith.muli %scan3A_340, %mul3A_789 : i32
      %add3A_791 = arith.constant 12 : i32
      %add3A_792 = arith.addi %mul3A_790, %add3A_791 : i32
      %broadcast_in_dim3A_793 = vector.broadcast %add3A_792 : i32 to vector<16xi32>
      tpu.vector_store_idx %arg6[%iota3A, %broadcast_in_dim3A_793], %gather3A_788 : memref<16x512xf32, #tpu.memory_space<vmem>>[vector<16xi32>, vector<16xi32>], vector<16xf32>,
      %slice3A_794 = vector.extract_strided_slice %get3A_349 {offsets = [13], sizes = [1], strides = [1]} : vector<16xi32> to vector<1xi32>
      %squeeze3A_795 = vector.extract %slice3A_794[0] : i32 from vector<1xi32>
      %and3A_796 = arith.constant 127 : i32
      %and3A_797 = arith.andi %squeeze3A_795, %and3A_796 : i32
      %broadcast_in_dim3A_798 = vector.broadcast %and3A_797 : i32 to vector<16xi32>
      %gather3A_799 = arith.constant 13 : i32
      %gather3A_800 = arith.constant 0 : i32
      %gather3A_801 = arith.constant 0 : i32
      %gather3A_802 = tpu.memref_slice %arg7[%rem3A_341, %gather3A_799, %gather3A_800, %gather3A_801] : memref<2x16x16x128xf32, #tpu.memory_space<vmem>> -> memref<1x1x16x128xf32, #tpu.memory_space<vmem>>
      %gather3A_803 = tpu.memref_squeeze %gather3A_802 : memref<1x1x16x128xf32, #tpu.memory_space<vmem>> -> memref<16x128xf32, #tpu.memory_space<vmem>>
      %gather3A_804 = tpu.vector_load_idx %gather3A_803[%iota3A, %broadcast_in_dim3A_798] : memref<16x128xf32, #tpu.memory_space<vmem>>[vector<16xi32>, vector<16xi32>], vector<16xf32>,
      %mul3A_805 = arith.constant 16 : i32
      %mul3A_806 = arith.muli %scan3A_340, %mul3A_805 : i32
      %add3A_807 = arith.constant 13 : i32
      %add3A_808 = arith.addi %mul3A_806, %add3A_807 : i32
      %broadcast_in_dim3A_809 = vector.broadcast %add3A_808 : i32 to vector<16xi32>
      tpu.vector_store_idx %arg6[%iota3A, %broadcast_in_dim3A_809], %gather3A_804 : memref<16x512xf32, #tpu.memory_space<vmem>>[vector<16xi32>, vector<16xi32>], vector<16xf32>,
      %slice3A_810 = vector.extract_strided_slice %get3A_349 {offsets = [14], sizes = [1], strides = [1]} : vector<16xi32> to vector<1xi32>
      %squeeze3A_811 = vector.extract %slice3A_810[0] : i32 from vector<1xi32>
      %and3A_812 = arith.constant 127 : i32
      %and3A_813 = arith.andi %squeeze3A_811, %and3A_812 : i32
      %broadcast_in_dim3A_814 = vector.broadcast %and3A_813 : i32 to vector<16xi32>
      %gather3A_815 = arith.constant 14 : i32
      %gather3A_816 = arith.constant 0 : i32
      %gather3A_817 = arith.constant 0 : i32
      %gather3A_818 = tpu.memref_slice %arg7[%rem3A_341, %gather3A_815, %gather3A_816, %gather3A_817] : memref<2x16x16x128xf32, #tpu.memory_space<vmem>> -> memref<1x1x16x128xf32, #tpu.memory_space<vmem>>
      %gather3A_819 = tpu.memref_squeeze %gather3A_818 : memref<1x1x16x128xf32, #tpu.memory_space<vmem>> -> memref<16x128xf32, #tpu.memory_space<vmem>>
      %gather3A_820 = tpu.vector_load_idx %gather3A_819[%iota3A, %broadcast_in_dim3A_814] : memref<16x128xf32, #tpu.memory_space<vmem>>[vector<16xi32>, vector<16xi32>], vector<16xf32>,
      %mul3A_821 = arith.constant 16 : i32
      %mul3A_822 = arith.muli %scan3A_340, %mul3A_821 : i32
      %add3A_823 = arith.constant 14 : i32
      %add3A_824 = arith.addi %mul3A_822, %add3A_823 : i32
      %broadcast_in_dim3A_825 = vector.broadcast %add3A_824 : i32 to vector<16xi32>
      tpu.vector_store_idx %arg6[%iota3A, %broadcast_in_dim3A_825], %gather3A_820 : memref<16x512xf32, #tpu.memory_space<vmem>>[vector<16xi32>, vector<16xi32>], vector<16xf32>,
      %slice3A_826 = vector.extract_strided_slice %get3A_349 {offsets = [15], sizes = [1], strides = [1]} : vector<16xi32> to vector<1xi32>
      %squeeze3A_827 = vector.extract %slice3A_826[0] : i32 from vector<1xi32>
      %and3A_828 = arith.constant 127 : i32
      %and3A_829 = arith.andi %squeeze3A_827, %and3A_828 : i32
      %broadcast_in_dim3A_830 = vector.broadcast %and3A_829 : i32 to vector<16xi32>
      %gather3A_831 = arith.constant 15 : i32
      %gather3A_832 = arith.constant 0 : i32
      %gather3A_833 = arith.constant 0 : i32
      %gather3A_834 = tpu.memref_slice %arg7[%rem3A_341, %gather3A_831, %gather3A_832, %gather3A_833] : memref<2x16x16x128xf32, #tpu.memory_space<vmem>> -> memref<1x1x16x128xf32, #tpu.memory_space<vmem>>
      %gather3A_835 = tpu.memref_squeeze %gather3A_834 : memref<1x1x16x128xf32, #tpu.memory_space<vmem>> -> memref<16x128xf32, #tpu.memory_space<vmem>>
      %gather3A_836 = tpu.vector_load_idx %gather3A_835[%iota3A, %broadcast_in_dim3A_830] : memref<16x128xf32, #tpu.memory_space<vmem>>[vector<16xi32>, vector<16xi32>], vector<16xf32>,
      %mul3A_837 = arith.constant 16 : i32
      %mul3A_838 = arith.muli %scan3A_340, %mul3A_837 : i32
      %add3A_839 = arith.constant 15 : i32
      %add3A_840 = arith.addi %mul3A_838, %add3A_839 : i32
      %broadcast_in_dim3A_841 = vector.broadcast %add3A_840 : i32 to vector<16xi32>
      tpu.vector_store_idx %arg6[%iota3A, %broadcast_in_dim3A_841], %gather3A_836 : memref<16x512xf32, #tpu.memory_space<vmem>>[vector<16xi32>, vector<16xi32>], vector<16xf32>,
    }
    %scan3A_339 = arith.constant 32 : i32
    "tpu.region"() ({
      %run_scoped3A = tpu.sem_alloc : memref<!tpu.dma_semaphore, #tpu.memory_space<semaphore_mem>>
      %dma_start3A_340 = arith.constant 0 : i32
      %dma_start3A_341 = tpu.memref_slice %arg4[%dma_start3A_340, %multiple_of3A] : memref<16x16384xf32, #tpu.memory_space<hbm>> -> memref<16x512xf32, #tpu.memory_space<hbm>>
      %dma_start3A_342 = arith.constant 0 : i32
      %dma_start3A_343 = tpu.memref_slice %arg4[%dma_start3A_342, %multiple_of3A] : memref<16x16384xf32, #tpu.memory_space<hbm>> -> memref<16x512xf32, #tpu.memory_space<hbm>>
      tpu.enqueue_dma source(%arg6 : memref<16x512xf32, #tpu.memory_space<vmem>>) target(%dma_start3A_343 : memref<16x512xf32, #tpu.memory_space<hbm>>) target_semaphore(%run_scoped3A : memref<!tpu.dma_semaphore, #tpu.memory_space<semaphore_mem>>)
      %dma_wait3A = arith.constant 0 : i32
      %dma_wait3A_344 = tpu.memref_slice %arg4[%dma_wait3A, %multiple_of3A] : memref<16x16384xf32, #tpu.memory_space<hbm>> -> memref<16x512xf32, #tpu.memory_space<hbm>>
      %dma_wait3A_345 = arith.constant 0 : i32
      %dma_wait3A_346 = tpu.memref_slice %arg4[%dma_wait3A_345, %multiple_of3A] : memref<16x16384xf32, #tpu.memory_space<hbm>> -> memref<16x512xf32, #tpu.memory_space<hbm>>
      tpu.wait_dma2 semaphore(%run_scoped3A : memref<!tpu.dma_semaphore, #tpu.memory_space<semaphore_mem>>) src(%arg6 : memref<16x512xf32, #tpu.memory_space<vmem>>) dst(%dma_wait3A_346 : memref<16x512xf32, #tpu.memory_space<hbm>>)
      tpu.yield
    }) : () -> ()
    return
  }
}

</mosaic_0001>

<sc_bundles>
// kernel: kernel.3.cloned.1.call-start
scs
__scs_entry_jumppad:
0x0: {  	(pc) =	sbr.rel $0x88, $3  }
0x1: {  	(tag) =	ssettag $0x0;
	lr =	simm.s32 $0x1  }
0x2: {  	[smem:$0x3F9F] =	sst lr;
	_ =	strace $0xD0000000  }
0x3: {  	_ = 	snop  }
0x4: {  	_ = 	snop  }
0x5: {  	_ = 	snop  }
0x6: {  	_ = 	snop  }
0x7: {  	_ = 	snop  }
__scs_overlays_trampoline_lowered:
0x8: {  	[smem:$0x3FAE] =	sst s0  }
0x9: {  	[smem:$0x3FAF] =	sst s1  }
0xa: {  	[smem:$0x3FB0] =	sst s2  }
0xb: {  	[smem:$0x3FB1] =	sst s3  }
0xc: {  	[smem:$0x3FB2] =	sst s4  }
0xd: {  	[smem:$0x3FB3] =	sst s5  }
0xe: {  	[smem:$0x3FB4] =	sst s6  }
0xf: {  	[smem:$0x3FB5] =	sst s7  }
0x10: {  	[smem:$0x3FB6] =	sst s8  }
0x11: {  	[smem:$0x3FB7] =	sst s9;
	s0 =	simm.s32 @!p0 $0x0  }
0x12: {  	s1 =	sld [smem:$0x3F9D];
	s0 =	simm.s32 @p0 $0x1  }
0x13: {  	[smem:$0x3FB8] =	sst s0;
	s0 =	simm.s32 @!p1 $0x0  }
0x14: {  	s2 =	sld [smem:$0x3F9C];
	s0 =	simm.s32 @p1 $0x1  }
0x15: {  	[smem:$0x3FB9] =	sst s0;
	s0 =	simm.s32 @!p2 $0x0  }
0x16: {  	s3 =	sld [smem:$0x3FDB];
	s0 =	simm.s32 @p2 $0x1  }
0x17: {  	s4 =	simm.s32 $0x1BF5;
	[smem:$0x3FBB] =	sst s0  }
0x18: {  	s0 =	sld [smem:$0x3F9E];
	_ =	swait.ge [sflag:s4], $0x0  }
0x19: {  	s7 =	sld [smem:$0x3F9F]  }
0x1a: {  	s8 =	sadd.s32 $0xFFFFE003, lr  }
0x1b: {  	s9 =	sadd.s32 $0xFFFFFEF7, lr;
	s5 =	simm.s32 $0xFFFFFFFF;
	p2 =	slt.u32 s8, $0xFFFFF086  }
0x1c: {  	p1 =	slt.u32 s9, $0xF7A;
	s5 =	simm.s32 @!p2 $0x0  }
0x1d: {  	s5 =	simm.s32 @p1 $0x1;
	p0 =	seq.s32 s7, s2  }
0x1e: {  	s7 =	smul.u32 @!p0 $0xF7A, s2;
	p2 =	seq.s32 @!p0 s5, $0x0  }
0x1f: {  	s9 =	smul.u32 $0xF7A, s1;
	s8 =	simm.s32 @!p0 $0x1BF5;
	p2 =	por !p2, p0  }
0x20: {  	[sflag:s8] =	ssyncset.s32 @!p0 $0xFFFFF086;
	s6 =	sadd.s32 @!p0 s3, s7;
	s7 =	simm.s32 @!p0 $0x108  }
0x21: {  	s3 =	sadd.s32 s3, s9;
	s6 =	sadd.s32 @!p0 $0x88, s6;
	s7 =	simm.s32 @p2 $0x1082  }
0x22: {  	[simem:s7], [sflag:s8] =	dma.local @!p0 [hbm:s6], $0xF7A  }
0x23: {  	s9 =	sor.u32 $0xD0000000, s2;
	s6 =	simm.s32 $0x108;
	_ =	swait.ge @!p0 [sflag:s8], $0x0  }
0x24: {  	s3 =	sadd.s32 $0x88, s3;
	s6 =	simm.s32 @!p1 $0x1082;
	[sflag:s4] =	ssyncset.s32 $0xFFFFF086  }
0x25: {  	[simem:s6], [sflag:s4] =	dma.local [hbm:s3], $0xF7A  }
0x26: {  	[smem:$0x3F9F] =	sst s1;
	(tag) =	ssettag s2;
	_ =	strace s9  }
0x27: {  	s1 =	sld [smem:$0x3FAF]  }
0x28: {  	s2 =	sld [smem:$0x3FB0]  }
0x29: {  	s4 =	sld [smem:$0x3FB2]  }
0x2a: {  	p0 =	seq.s32 s5, $0x0;
	s5 =	sld [smem:$0x3FB3]  }
0x2b: {  	s6 =	sld [smem:$0x3FB4]  }
0x2c: {  	s7 =	sld [smem:$0x3FB5]  }
0x2d: {  	s3 =	simm.s32 $0x108;
	s8 =	sld [smem:$0x3FB6]  }
0x2e: {  	s3 =	simm.s32 @!p0 $0x1082;
	s9 =	sld [smem:$0x3FB7]  }
0x2f: {  	lr =	sadd.s32 s0, s3;
	s0 =	sld [smem:$0x3FAE]  }
0x30: {  	s3 =	sld [smem:$0x3FB1]  }
0x31: {  	[smem:$0x3FBA] =	sst s10  }
0x32: {  	s10 =	sld [smem:$0x3FB8];
	_ =	sdelay $0x3  }
0x33: {  	p0 =	seq.s32 s10, $0x1;
	s10 =	sld [smem:$0x3FBA];
	_ =	sdelay $0x3  }
0x34: {  	[smem:$0x3FBA] =	sst s10  }
0x35: {  	s10 =	sld [smem:$0x3FB9];
	_ =	sdelay $0x3  }
0x36: {  	p1 =	seq.s32 s10, $0x1;
	s10 =	sld [smem:$0x3FBA];
	_ =	sdelay $0x3  }
0x37: {  	[smem:$0x3FBA] =	sst s10  }
0x38: {  	s10 =	sld [smem:$0x3FBB]  }
0x39: {  	_ = 	snop;
	(pc) =	sbr.ind lr, $3  }
0x3a: {  	_ = 	snop  }
0x3b: {  	_ = 	snop  }
0x3c: {  	p2 =	seq.s32 s10, $0x1;
	s10 =	sld [smem:$0x3FBA]  }
0x3d: {  	_ =	shalt  }
0x3e: {  	_ =	shalt  }
0x3f: {  	_ =	shalt  }
0x40: {  	_ =	shalt  }
0x41: {  	_ =	shalt  }
0x42: {  	_ =	shalt  }
0x43: {  	_ =	shalt  }
0x44: {  	_ =	shalt  }
0x45: {  	_ =	shalt  }
0x46: {  	_ =	shalt  }
0x47: {  	_ =	shalt  }
0x48: {  	_ =	shalt  }
0x49: {  	_ =	shalt  }
0x4a: {  	_ =	shalt  }
0x4b: {  	_ =	shalt  }
0x4c: {  	_ =	shalt  }
0x4d: {  	_ =	shalt  }
0x4e: {  	_ =	shalt  }
0x4f: {  	_ =	shalt  }
0x50: {  	_ =	shalt  }
0x51: {  	_ =	shalt  }
0x52: {  	_ =	shalt  }
0x53: {  	_ =	shalt  }
0x54: {  	_ =	shalt  }
0x55: {  	_ =	shalt  }
0x56: {  	_ =	shalt  }
0x57: {  	_ =	shalt  }
0x58: {  	_ =	shalt  }
0x59: {  	_ =	shalt  }
0x5a: {  	_ =	shalt  }
0x5b: {  	_ =	shalt  }
0x5c: {  	_ =	shalt  }
0x5d: {  	_ =	shalt  }
0x5e: {  	_ =	shalt  }
0x5f: {  	_ =	shalt  }
0x60: {  	_ =	shalt  }
0x61: {  	_ =	shalt  }
0x62: {  	_ =	shalt  }
0x63: {  	_ =	shalt  }
0x64: {  	_ =	shalt  }
0x65: {  	_ =	shalt  }
0x66: {  	_ =	shalt  }
0x67: {  	_ =	shalt  }
0x68: {  	_ =	shalt  }
0x69: {  	_ =	shalt  }
0x6a: {  	_ =	shalt  }
0x6b: {  	_ =	shalt  }
0x6c: {  	_ =	shalt  }
0x6d: {  	_ =	shalt  }
0x6e: {  	_ =	shalt  }
0x6f: {  	_ =	shalt  }
0x70: {  	_ =	shalt  }
0x71: {  	_ =	shalt  }
0x72: {  	_ =	shalt  }
0x73: {  	_ =	shalt  }
0x74: {  	_ =	shalt  }
0x75: {  	_ =	shalt  }
0x76: {  	_ =	shalt  }
0x77: {  	_ =	shalt  }
0x78: {  	_ =	shalt  }
0x79: {  	_ =	shalt  }
0x7a: {  	_ =	shalt  }
0x7b: {  	_ =	shalt  }
0x7c: {  	_ =	shalt  }
0x7d: {  	_ =	shalt  }
0x7e: {  	_ =	shalt  }
0x7f: {  	_ =	shalt  }
0x80: {  	_ =	shalt  }
0x81: {  	_ =	shalt  }
0x82: {  	_ =	shalt  }
0x83: {  	_ =	shalt  }
0x84: {  	_ =	shalt  }
0x85: {  	_ =	shalt  }
0x86: {  	_ =	shalt  }
0x87: {  	_ =	shalt  }
.Lfunc_end0:
.L_simem_size_0:
called_computation_lowered:
.L_overlay_start_0:
0x88: {  	s2 =	sld [smem:$0x3FD9]  }
0x89: {  	s3 =	sld [smem:$0x3FFE];
	_ =	sdelay $0x1  }
0x8a: {  	s1 =	srdreg.scid  }
0x8b: {  	s0 =	sand.u32 $0x1, s1  }
0x8c: {  	s18 =	sshll.u32 s0, $0xA;
	s2 =	sadd.s32 s3, s2  }
0x8d: {  	s2 =	sadd.s32 s2, s18  }
0x8e: {  	[smem:$0x3FC6] =	sst s2  }
0x8f: {  	_ = 	snop  }
0x90: {  	s2 =	sld [smem:$0x3FC9]  }
0x91: {  	s19 =	sld [smem:$0x3FC8]  }
0x92: {  	s4 =	sld [smem:$0x3FD0];
	(tm) =	ssettm $0x1  }
0x93: {  	s5 =	sld [smem:$0x3FFB];
	_ =	sdelay $0x3  }
0x94: {  	_ =	strace s5  }
0x95: {  	s5 =	sld [smem:$0x3FFC];
	_ =	sdelay $0x3  }
0x96: {  	_ =	strace s5  }
0x97: {  	s5 =	sld [smem:$0x3FFD];
	_ =	sdelay $0x3  }
0x98: {  	_ =	strace s5  }
0x99: {  	_ =	strace $0x8FFFFFFF  }
0x9a: {  	s20 =	sld [smem:$0x3FDB];
	_ =	sdelay $0x1  }
0x9b: {  	s6 =	simm.s32 $_scs_section_size  }
0x9c: {  	s7 =	simm.s32 $_size__tile_overlayer_lowered;
	s8 =	simm.s32 $_tile_overlayer_lowered  }
0x9d: {  	s23 =	simm.s32 $0x1BFF;
	s22 =	sshll.u32 s8, $0x1;
	s5 =	sadd.s32 s6, s20  }
0x9e: {  	s9 =	simm.s32 $0x0;
	s21 =	sshll.u32 s7, $0x1;
	s7 =	sadd.s32 s22, s5  }
0x9f: {  	[timem:s9], [sflag:s23] =	dma.local [hbm:s7], s21  }
0xa0: {  	_ =	swait.ge [sflag:s23], s21  }
0xa1: {  	s6 =	ssub.s32 $0x0, s21;
	[sflag:s23] =	ssyncset.done $0x0  }
0xa2: {  	[sflag:s23] =	ssyncadd.s32 s6;
	_ =	sdelay $0x1  }
0xa3: {  	s24 =	simm.s32 $0x1B8B  }
0xa4: {  	_ =	swait.ge [sflag:s24], $0x1  }
0xa5: {  	[sflag:s24] =	ssyncset.done $0x0  }
0xa6: {  	s25 =	simm.s32 $0x1B8E;
	[sflag:s24] =	ssyncadd.s32 $0xFFFFFFFF  }
0xa7: {  	s26 =	simm.s32 $execute0_lowered;
	[smem:$0x3FD2] =	sst s25  }
0xa8: {  	s6 =	sshll.u32 s26, $0x1;
	_ =	strace $0x80000046;
	[dreg:$0x1] =	wrdreg $0xFFFFFFFF  }
0xa9: {  	s28 =	simm.s32 $_size_execute0_lowered;
	s5 =	sadd.s32 s5, s6;
	[dreg:$0x0] =	wrdreg $0x0  }
0xaa: {  	s6 =	sshll.u32 s28, $0x1;
	[dreg:$0x2] =	wrdreg s5  }
0xab: {  	[dreg:$0x3] =	wrdreg s6  }
0xac: {  	[dreg:$0x4] =	wrdreg $0xC0  }
0xad: {  	_ =	task [dreg:s9], $0x5FFFF  }
0xae: {  	[dreg:$0x1] =	wrdreg $0xFFFFFFFF  }
0xaf: {  	[dreg:$0x0] =	wrdreg $0x60  }
0xb0: {  	[dreg:$0x2] =	wrdreg s2  }
0xb1: {  	[dreg:$0x3] =	wrdreg s19  }
0xb2: {  	[dreg:$0x4] =	wrdreg s4  }
0xb3: {  	[dreg:$0x5] =	wrdreg $0x9  }
0xb4: {  	_ =	task.clear_ibuf [dreg:s9], $0x6FFFF;
	_ =	strace $0x90000046  }
0xb5: {  	s29 =	simm.s32 $0x9;
	_ =	strace $0x80000048  }
0xb6: {  	_ =	swait.ge [sflag:s29], $0x1  }
0xb7: {  	[sflag:s29] =	ssyncadd.s32 $0xFFFFFFFF  }
0xb8: {  	_ =	strace $0x90000048  }
0xb9: {  	_ =	sfence  }
0xba: {  	s30 =	sld [smem:$0x0];
	_ =	sdelay $0x2  }
0xbb: {  	s31 =	sshll.u32 s1, $0xD;
	s1 =	sshrl.u32 s1, $0x2  }
0xbc: {  	s3 =	sand.u32 $0x4000, s31;
	s1 =	sadd.s32 s1, s30  }
0xbd: {  	s0 =	sor.u32 s3, s0;
	s1 =	sshll.u32 s1, $0x11  }
0xbe: {  	s0 =	sor.u32 s1, s0  }
0xbf: {  	s0 =	sadd.s32 $0x8F2B, s0  }
0xc0: {  	[sflag:s0] =	ssyncadd.remote.s32 $0x1  }
0xc1: {  	_ =	sfence.sel $0xFFFF  }
0xc2: {  	[dreg:$0x0] =	wrdreg $0xFFFFFFFF;
	(pc) =	sbr.abs _section_cstart, $3  }
0xc3: {  	[dreg:$0x1] =	wrdreg $0xFFFFFFFF  }
0xc4: {  	_ =	task.clear_ibuf [dreg:s9], $0x2FFFF;
	_ =	strace $0x9FFFFFFF  }
0xc5: {  	(tm) =	ssettm $0x7FFFFFFF  }
tec
execute0_lowered:
.L_overlay_start_1:
0x0: {  	(tag) =	ssettag $0x1  }
0x1: {  	v0 =	vimm.s32 $0x1380;
	vm0 =	vcmask $0x300  }
0x2: {  	s0 =	rddreg [dreg:$0x0];
	vm14 =	vcmask $0x704;
	v0 =	vsel vm0, $0x0, v0  }
0x3: {  	s1 =	rddreg [dreg:$0x1];
	vm15 =	vcmask $0xB08;
	v0 =	vsel vm14, $0x80, v0  }
0x4: {  	s2 =	rddreg [dreg:$0x2];
	s3 =	srdreg.scid;
	vm4 =	vcmask $0xF0C;
	v0 =	vsel vm15, $0x100, v0  }
0x5: {  	s6 =	simm.s32 $0x0;
	s5 =	stileid.u32;
	vm5 =	vcmask $0x1310;
	s7 =	simm.s32 $0x2;
	v0 =	vsel vm4, $0x180, v0  }
0x6: {  	vm6 =	vcmask $0x1714;
	s8 =	simm.s32 $0x400;
	s9 =	simm.s32 $0x7A1400;
	s14 =	simm.s32 $0x4200;
	v0 =	vsel vm5, $0x200, v0  }
0x7: {  	vm7 =	vcmask $0x1B18;
	s15 =	simm.s32 $0x4A00;
	s16 =	simm.s32 $0x5200;
	s17 =	simm.s32 $0x5A00;
	v0 =	vsel vm6, $0x280, v0  }
0x8: {  	vm8 =	vcmask $0x1F1C;
	s18 =	simm.s32 $0x6200;
	s19 =	simm.s32 $0x6A00;
	s20 =	simm.s32 $0x7200;
	v0 =	vsel vm7, $0x300, v0  }
0x9: {  	vm9 =	vcmask $0x2320;
	s21 =	simm.s32 $0x7A00;
	s22 =	simm.s32 $0x8200;
	s23 =	simm.s32 $0x8A00;
	v0 =	vsel vm8, $0x380, v0  }
0xa: {  	vm10 =	vcmask $0x2724;
	s24 =	simm.s32 $0x9200;
	s28 =	simm.s32 $0x200;
	s29 =	simm.s32 $0x1000;
	v0 =	vsel vm9, $0x1000, v0  }
0xb: {  	vm11 =	vcmask $0x2B28;
	s30 =	simm.s32 $0x20000;
	s31 =	simm.s32 $0x0;
	s3 =	sand.u32 $0x1, s3;
	v0 =	vsel vm10, $0x1080, v0  }
.Ltmp0:
0xc: {  	vm12 =	vcmask $0x2F2C;
	s5 =	sshll.u32 s5, $0xA;
	s4 =	ssub.s32 $0x2, s3;
	v0 =	vsel vm11, $0x1100, v0;
	(pc) =	sbr.rel .LBB2_1-.Ltmp0, $4  }
0xd: {  	vm13 =	vcmask $0x3330;
	[smem:$0x7FF] =	sst s6;
	s3 =	sshll.u32 s3, $0x9;
	s25 =	sshrl.u32 s4, $0x1;
	v0 =	vsel vm12, $0x1180, v0  }
0xe: {  	_ =	strace $0x80000047;
	vm14 =	vcmask $0x3734;
	s3 =	sor.u32 s3, s5;
	s6 =	ssub.s32 s4, s25;
	v0 =	vsel vm13, $0x1200, v0  }
0xf: {  	v1 =	vlaneseq.u32;
	vm15 =	vcmask $0x3B38;
	s26 =	sshrl.u32 s3, $0x3;
	s5 =	sadd.s32 s2, s3;
	s25 =	simm.s32 $0x9A00;
	v2 =	vsel vm14, $0x1280, v0  }
0x10: {  	s4 =	sadd.s32 s1, s26;
	s6 =	smax.u32 s6, $0x1;
	s26 =	simm.s32 $0x1;
	v0 =	vmul.u32 $0x80, v1;
	v1 =	vsel vm15, $0x1300, v2  }
.LBB2_5:
0x11: {  	s31 =	sadd.s32 $0x1, s31  }
0x12: {  	p0 =	sne.s32 s31, s6  }
.Ltmp1:
0x13: {  	_ = 	snop;
	(pc) =	sbr.rel @!p0 .LBB2_6-.Ltmp1, $4  }
0x14: {  	[hbm4b:s5+s29] =	stream.strided.scatter [tilespmem:s28], [sflag:$0x2], $0x2000, s30, s29, $0x38;
	[tilespmem:$0x12200] =	vst v63  }
0x15: {  	_ =	swait.ge [sflag:s7], $0x2000  }
0x16: {  	[sflag:s7] =	ssyncset.done $0x0  }
0x17: {  	[sflag:s7] =	ssyncadd.s32 $0xFFFFE000  }
.LBB2_1:
0x18: {  	s1 =	simm.s32 $0x0  }
0x19: {  	[tilespmem:s1], [sflag:$0x2] =	stream.linear.gather [hbm4b:s4+s1], $0x200, $0x38;
	[tilespmem:$0x12200] =	vst v63  }
0x1a: {  	_ =	swait.ge [sflag:s7], $0x200  }
0x1b: {  	[sflag:s7] =	ssyncset.done $0x0  }
0x1c: {  	[sflag:s7] =	ssyncadd.s32 $0xFFFFFE00  }
0x1d: {  	v2 =	vld [tilespmem:$0x0];
	_ =	sdelay $0x4  }
0x1e: {  	(v2sf) =	vpush v2, $0x0  }
0x1f: {  	(v2sf) =	vpush v2, $0x1;
	_ =	sdelay $0x5  }
0x20: {  	(v2sf) =	vpush v2, $0x2;
	_ =	sdelay $0x1  }
0x21: {  	(v2sf) =	vpush v2, $0x3;
	_ =	sdelay $0x5  }
0x22: {  	s3 =	spop (v2sf);
	(v2sf) =	vpush v2, $0x4  }
0x23: {  	s10 =	spop (v2sf);
	(v2sf) =	vpush v2, $0x5;
	_ =	sdelay $0x4  }
0x24: {  	s1 =	sand.u32 $0xFFFFF80, s3  }
0x25: {  	s2 =	simm.s32 $0x2200;
	s1 =	sadd.s32 s0, s1;
	s12 =	spop (v2sf);
	(v2sf) =	vpush v2, $0x6  }
0x26: {  	[tilespmem:s2], [sflag:$0x1] =	stream.strided.gather [hbm4b:s1+s8], $0x800, s9, s8, $0x38;
	[tilespmem:$0x12200] =	vst v63  }
0x27: {  	s1 =	sand.u32 $0xFFFFF80, s10;
	s2 =	spop (v2sf);
	(v2sf) =	vpush v2, $0x7  }
0x28: {  	s11 =	simm.s32 $0x2A00;
	s1 =	sadd.s32 s0, s1  }
0x29: {  	[tilespmem:s11], [sflag:$0x1] =	stream.strided.gather [hbm4b:s1+s8], $0x800, s9, s8, $0x38;
	[tilespmem:$0x12200] =	vst v63  }
0x2a: {  	s1 =	sand.u32 $0xFFFFF80, s12  }
0x2b: {  	s13 =	simm.s32 $0x3200;
	s1 =	sadd.s32 s0, s1  }
0x2c: {  	[tilespmem:s13], [sflag:$0x1] =	stream.strided.gather [hbm4b:s1+s8], $0x800, s9, s8, $0x38;
	[tilespmem:$0x12200] =	vst v63  }
0x2d: {  	s1 =	sand.u32 $0xFFFFF80, s2;
	s10 =	spop (v2sf);
	(v2sf) =	vpush v2, $0x8  }
0x2e: {  	s3 =	simm.s32 $0x3A00;
	s1 =	sadd.s32 s0, s1;
	s11 =	spop (v2sf);
	(v2sf) =	vpush v2, $0x9  }
0x2f: {  	[tilespmem:s3], [sflag:$0x1] =	stream.strided.gather [hbm4b:s1+s8], $0x800, s9, s8, $0x38;
	[tilespmem:$0x12200] =	vst v63  }
0x30: {  	s1 =	sand.u32 $0xFFFFF80, s10  }
0x31: {  	s1 =	sadd.s32 s0, s1  }
0x32: {  	[tilespmem:s14], [sflag:$0x1] =	stream.strided.gather [hbm4b:s1+s8], $0x800, s9, s8, $0x38;
	[tilespmem:$0x12200] =	vst v63  }
0x33: {  	(v2sf) =	vpush v2, $0xA;
	s1 =	sand.u32 $0xFFFFF80, s11  }
0x34: {  	s12 =	spop (v2sf);
	s1 =	sadd.s32 s0, s1  }
0x35: {  	(v2sf) =	vpush v2, $0xB;
	[tilespmem:s15], [sflag:$0x1] =	stream.strided.gather [hbm4b:s1+s8], $0x800, s9, s8, $0x38;
	[tilespmem:$0x12200] =	vst v63  }
0x36: {  	s13 =	spop (v2sf);
	(v2sf) =	vpush v2, $0xC;
	s1 =	sand.u32 $0xFFFFF80, s12  }
0x37: {  	s1 =	sadd.s32 s0, s1  }
0x38: {  	[tilespmem:s16], [sflag:$0x1] =	stream.strided.gather [hbm4b:s1+s8], $0x800, s9, s8, $0x38;
	[tilespmem:$0x12200] =	vst v63  }
0x39: {  	s1 =	sand.u32 $0xFFFFF80, s13  }
0x3a: {  	s1 =	sadd.s32 s0, s1  }
0x3b: {  	[tilespmem:s17], [sflag:$0x1] =	stream.strided.gather [hbm4b:s1+s8], $0x800, s9, s8, $0x38;
	[tilespmem:$0x12200] =	vst v63  }
0x3c: {  	s2 =	spop (v2sf);
	(v2sf) =	vpush v2, $0xD  }
0x3d: {  	s3 =	spop (v2sf);
	(v2sf) =	vpush v2, $0xE  }
0x3e: {  	s1 =	sand.u32 $0xFFFFF80, s2  }
0x3f: {  	s1 =	sadd.s32 s0, s1  }
0x40: {  	[tilespmem:s18], [sflag:$0x1] =	stream.strided.gather [hbm4b:s1+s8], $0x800, s9, s8, $0x38;
	[tilespmem:$0x12200] =	vst v63  }
0x41: {  	s1 =	sand.u32 $0xFFFFF80, s3  }
0x42: {  	s10 =	spop (v2sf);
	(v2sf) =	vpush v2, $0xF;
	s1 =	sadd.s32 s0, s1  }
0x43: {  	[tilespmem:s19], [sflag:$0x1] =	stream.strided.gather [hbm4b:s1+s8], $0x800, s9, s8, $0x38;
	[tilespmem:$0x12200] =	vst v63  }
0x44: {  	s11 =	spop (v2sf);
	s1 =	sand.u32 $0xFFFFF80, s10  }
0x45: {  	s12 =	sand.u32 $0xFFFFF80, s11;
	s13 =	spop (v2sf);
	s1 =	sadd.s32 s0, s1  }
0x46: {  	[tilespmem:s20], [sflag:$0x1] =	stream.strided.gather [hbm4b:s1+s8], $0x800, s9, s8, $0x38;
	[tilespmem:$0x12200] =	vst v63  }
0x47: {  	s2 =	sand.u32 $0xFFFFF80, s13;
	s1 =	sadd.s32 s0, s12  }
0x48: {  	[tilespmem:s21], [sflag:$0x1] =	stream.strided.gather [hbm4b:s1+s8], $0x800, s9, s8, $0x38;
	[tilespmem:$0x12200] =	vst v63  }
0x49: {  	s1 =	sadd.s32 s0, s2  }
0x4a: {  	[tilespmem:s22], [sflag:$0x1] =	stream.strided.gather [hbm4b:s1+s8], $0x800, s9, s8, $0x38;
	[tilespmem:$0x12200] =	vst v63  }
0x4b: {  	s3 =	spop (v2sf)  }
0x4c: {  	s10 =	sand.u32 $0xFFFFF80, s3;
	s11 =	spop (v2sf)  }
0x4d: {  	s1 =	sadd.s32 s0, s10;
	s12 =	sand.u32 $0xFFFFF80, s11  }
0x4e: {  	[tilespmem:s23], [sflag:$0x1] =	stream.strided.gather [hbm4b:s1+s8], $0x800, s9, s8, $0x38;
	[tilespmem:$0x12200] =	vst v63  }
0x4f: {  	s1 =	sadd.s32 s0, s12  }
0x50: {  	[tilespmem:s24], [sflag:$0x1] =	stream.strided.gather [hbm4b:s1+s8], $0x800, s9, s8, $0x38;
	[tilespmem:$0x12200] =	vst v63  }
.Ltmp2:
0x51: {  	s13 =	spop (v2sf);
	(pc) =	sbr.rel .LBB2_2-.Ltmp2, $4  }
0x52: {  	s1 =	sand.u32 $0xFFFFF80, s13  }
0x53: {  	s1 =	sadd.s32 s0, s1  }
0x54: {  	[tilespmem:s25], [sflag:$0x1] =	stream.strided.gather [hbm4b:s1+s8], $0x800, s9, s8, $0x38;
	[tilespmem:$0x12200] =	vst v63  }
0x55: {  	s2 =	simm.s32 $0x10;
	s3 =	simm.s32 $0x0;
	s1 =	simm.s32 $0xF  }
.LBB2_4:
0x56: {  	v2 =	vld [tilespmem:s2+$0xFFFFFFF0];
	_ =	swait.ge [sflag:s26], $0x800  }
0x57: {  	[sflag:s26] =	ssyncset.done $0x0  }
0x58: {  	[sflag:s26] =	ssyncadd.s32 $0xFFFFF800  }
0x59: {  	_ =	swait.ge [sflag:s26], $0x800  }
0x5a: {  	[sflag:s26] =	ssyncset.done $0x0  }
0x5b: {  	[sflag:s26] =	ssyncadd.s32 $0xFFFFF800  }
0x5c: {  	_ =	swait.ge [sflag:s26], $0x800  }
0x5d: {  	[sflag:s26] =	ssyncset.done $0x0  }
0x5e: {  	[sflag:s26] =	ssyncadd.s32 $0xFFFFF800  }
0x5f: {  	_ =	swait.ge [sflag:s26], $0x800  }
0x60: {  	[sflag:s26] =	ssyncset.done $0x0  }
0x61: {  	[sflag:s26] =	ssyncadd.s32 $0xFFFFF800  }
0x62: {  	_ =	swait.ge [sflag:s26], $0x800  }
0x63: {  	[sflag:s26] =	ssyncset.done $0x0  }
0x64: {  	[sflag:s26] =	ssyncadd.s32 $0xFFFFF800  }
0x65: {  	_ =	swait.ge [sflag:s26], $0x800  }
0x66: {  	[sflag:s26] =	ssyncset.done $0x0  }
0x67: {  	[sflag:s26] =	ssyncadd.s32 $0xFFFFF800  }
0x68: {  	_ =	swait.ge [sflag:s26], $0x800  }
0x69: {  	[sflag:s26] =	ssyncset.done $0x0  }
0x6a: {  	[sflag:s26] =	ssyncadd.s32 $0xFFFFF800  }
0x6b: {  	_ =	swait.ge [sflag:s26], $0x800  }
0x6c: {  	[sflag:s26] =	ssyncset.done $0x0  }
0x6d: {  	[sflag:s26] =	ssyncadd.s32 $0xFFFFF800  }
0x6e: {  	_ =	swait.ge [sflag:s26], $0x800  }
0x6f: {  	[sflag:s26] =	ssyncset.done $0x0  }
0x70: {  	[sflag:s26] =	ssyncadd.s32 $0xFFFFF800  }
0x71: {  	_ =	swait.ge [sflag:s26], $0x800  }
0x72: {  	[sflag:s26] =	ssyncset.done $0x0  }
0x73: {  	[sflag:s26] =	ssyncadd.s32 $0xFFFFF800  }
0x74: {  	_ =	swait.ge [sflag:s26], $0x800  }
0x75: {  	[sflag:s26] =	ssyncset.done $0x0  }
0x76: {  	[sflag:s26] =	ssyncadd.s32 $0xFFFFF800  }
0x77: {  	_ =	swait.ge [sflag:s26], $0x800  }
0x78: {  	[sflag:s26] =	ssyncset.done $0x0  }
0x79: {  	[sflag:s26] =	ssyncadd.s32 $0xFFFFF800  }
0x7a: {  	_ =	swait.ge [sflag:s26], $0x800  }
0x7b: {  	[sflag:s26] =	ssyncset.done $0x0  }
0x7c: {  	[sflag:s26] =	ssyncadd.s32 $0xFFFFF800  }
0x7d: {  	_ =	swait.ge [sflag:s26], $0x800  }
0x7e: {  	[sflag:s26] =	ssyncset.done $0x0  }
0x7f: {  	[sflag:s26] =	ssyncadd.s32 $0xFFFFF800  }
0x80: {  	_ =	swait.ge [sflag:s26], $0x800  }
0x81: {  	[sflag:s26] =	ssyncset.done $0x0  }
0x82: {  	[sflag:s26] =	ssyncadd.s32 $0xFFFFF800  }
0x83: {  	_ =	swait.ge [sflag:s26], $0x800  }
0x84: {  	(v2sf) =	vpush v2, $0x0;
	_ =	sdelay $0x5  }
0x85: {  	(v2sf) =	vpush v2, $0x1;
	_ =	sdelay $0x5  }
0x86: {  	(v2sf) =	vpush v2, $0x2;
	_ =	sdelay $0x2  }
0x87: {  	s11 =	spop (v2sf)  }
0x88: {  	s11 =	sand.u32 $0x7F, s11  }
0x89: {  	s12 =	sadd.s32 $0xFFFFFFF1, s1;
	v3 =	vor.u32 s11, v0  }
0x8a: {  	v4 =	vmov s12;
	(v2sf) =	vpush v2, $0x3  }
0x8b: {  	v5 =	vshll.u32 v4, $0x3  }
0x8c: {  	s10 =	sshll.u32 s10, $0xF;
	v4 =	vand.u32 $0x70, v4;
	v5 =	vand.u32 $0xC00, v5;
	[sflag:s26] =	ssyncset.done $0x0  }
0x8d: {  	s12 =	sor.u32 $0x2200, s10;
	v4 =	vor.u32 v5, v4;
	[sflag:s26] =	ssyncadd.s32 $0xFFFFF800;
	s13 =	spop (v2sf)  }
0x8e: {  	v4 =	vor.u32 v1, v4;
	v3 =	vld.idx.msk [tilespmem:v3+s12+$0x0], $0xffff;
	s12 =	sand.u32 $0x7F, s13  }
0x8f: {  	s13 =	sadd.s32 $0xFFFFFFF2, s1;
	v22 =	vor.u32 s12, v0  }
0x90: {  	(v2sf) =	vpush v2, $0x4;
	v6 =	vmov s13  }
0x91: {  	v7 =	vshll.u32 v6, $0x3  }
0x92: {  	v6 =	vand.u32 $0x71, v6;
	v7 =	vand.u32 $0xC00, v7  }
0x93: {  	s12 =	sor.u32 $0x2A00, s10;
	s13 =	spop (v2sf);
	[tilespmem:v4+s28+$0x0] =	vst.idx.msk $0xffff, v3;
	v3 =	vor.u32 v7, v6  }
0x94: {  	v4 =	vld.idx.msk [tilespmem:v22+s12+$0x0], $0xffff;
	v3 =	vor.u32 v1, v3;
	s12 =	sand.u32 $0x7F, s13  }
0x95: {  	s13 =	sadd.s32 $0xFFFFFFF3, s1;
	v23 =	vor.u32 s12, v0  }
0x96: {  	(v2sf) =	vpush v2, $0x5;
	v24 =	vmov s13  }
0x97: {  	v25 =	vshll.u32 v24, $0x3  }
0x98: {  	v6 =	vand.u32 $0x72, v24;
	v7 =	vand.u32 $0xC00, v25  }
0x99: {  	s12 =	sor.u32 $0x3200, s10;
	s13 =	spop (v2sf);
	[tilespmem:v3+s28+$0x0] =	vst.idx.msk $0xffff, v4;
	v3 =	vor.u32 v7, v6  }
0x9a: {  	v4 =	vld.idx.msk [tilespmem:v23+s12+$0x0], $0xffff;
	v3 =	vor.u32 v1, v3;
	s12 =	sand.u32 $0x7F, s13  }
0x9b: {  	s13 =	sadd.s32 $0xFFFFFFF4, s1;
	v26 =	vor.u32 s12, v0  }
0x9c: {  	(v2sf) =	vpush v2, $0x6;
	v27 =	vmov s13  }
0x9d: {  	v28 =	vshll.u32 v27, $0x3  }
0x9e: {  	v6 =	vand.u32 $0x73, v27;
	v7 =	vand.u32 $0xC00, v28  }
0x9f: {  	s12 =	sor.u32 $0x3A00, s10;
	s13 =	spop (v2sf);
	[tilespmem:v3+s28+$0x0] =	vst.idx.msk $0xffff, v4;
	v3 =	vor.u32 v7, v6  }
0xa0: {  	v4 =	vld.idx.msk [tilespmem:v26+s12+$0x0], $0xffff;
	v3 =	vor.u32 v1, v3;
	s12 =	sand.u32 $0x7F, s13  }
0xa1: {  	s13 =	sadd.s32 $0xFFFFFFF5, s1;
	v29 =	vor.u32 s12, v0  }
0xa2: {  	(v2sf) =	vpush v2, $0x7;
	v30 =	vmov s13  }
0xa3: {  	v31 =	vshll.u32 v30, $0x3  }
0xa4: {  	v6 =	vand.u32 $0x74, v30;
	v7 =	vand.u32 $0xC00, v31  }
0xa5: {  	s12 =	sor.u32 $0x4200, s10;
	s13 =	spop (v2sf);
	[tilespmem:v3+s28+$0x0] =	vst.idx.msk $0xffff, v4;
	v3 =	vor.u32 v7, v6  }
0xa6: {  	v4 =	vld.idx.msk [tilespmem:v29+s12+$0x0], $0xffff;
	v3 =	vor.u32 v1, v3;
	s12 =	sand.u32 $0x7F, s13  }
0xa7: {  	s13 =	sadd.s32 $0xFFFFFFF6, s1;
	v32 =	vor.u32 s12, v0  }
0xa8: {  	(v2sf) =	vpush v2, $0x8;
	v33 =	vmov s13  }
0xa9: {  	v34 =	vshll.u32 v33, $0x3  }
0xaa: {  	v6 =	vand.u32 $0x75, v33;
	v7 =	vand.u32 $0xC00, v34  }
0xab: {  	s12 =	sor.u32 $0x4A00, s10;
	s13 =	spop (v2sf);
	[tilespmem:v3+s28+$0x0] =	vst.idx.msk $0xffff, v4;
	v3 =	vor.u32 v7, v6  }
0xac: {  	v4 =	vld.idx.msk [tilespmem:v32+s12+$0x0], $0xffff;
	v3 =	vor.u32 v1, v3;
	s12 =	sand.u32 $0x7F, s13  }
0xad: {  	s13 =	sadd.s32 $0xFFFFFFF7, s1;
	v35 =	vor.u32 s12, v0  }
0xae: {  	(v2sf) =	vpush v2, $0x9;
	v36 =	vmov s13  }
0xaf: {  	v37 =	vshll.u32 v36, $0x3  }
0xb0: {  	v6 =	vand.u32 $0x76, v36;
	v7 =	vand.u32 $0xC00, v37  }
0xb1: {  	s12 =	sor.u32 $0x5200, s10;
	s13 =	spop (v2sf);
	[tilespmem:v3+s28+$0x0] =	vst.idx.msk $0xffff, v4;
	v3 =	vor.u32 v7, v6  }
0xb2: {  	v4 =	vld.idx.msk [tilespmem:v35+s12+$0x0], $0xffff;
	v3 =	vor.u32 v1, v3;
	s12 =	sand.u32 $0x7F, s13  }
0xb3: {  	s13 =	sadd.s32 $0xFFFFFFF8, s1;
	v38 =	vor.u32 s12, v0  }
0xb4: {  	(v2sf) =	vpush v2, $0xA;
	v39 =	vmov s13  }
0xb5: {  	v40 =	vshll.u32 v39, $0x3  }
0xb6: {  	v6 =	vand.u32 $0x77, v39;
	v7 =	vand.u32 $0xC00, v40  }
0xb7: {  	s12 =	sor.u32 $0x5A00, s10;
	s13 =	spop (v2sf);
	[tilespmem:v3+s28+$0x0] =	vst.idx.msk $0xffff, v4;
	v3 =	vor.u32 v7, v6  }
0xb8: {  	v4 =	vld.idx.msk [tilespmem:v38+s12+$0x0], $0xffff;
	v3 =	vor.u32 v1, v3;
	s12 =	sand.u32 $0x7F, s13  }
0xb9: {  	s13 =	sadd.s32 $0xFFFFFFF9, s1;
	v41 =	vor.u32 s12, v0  }
0xba: {  	(v2sf) =	vpush v2, $0xB;
	v42 =	vmov s13  }
0xbb: {  	v43 =	vshll.u32 v42, $0x3  }
0xbc: {  	v6 =	vand.u32 $0x78, v42;
	v7 =	vand.u32 $0xC00, v43  }
0xbd: {  	s12 =	sor.u32 $0x6200, s10;
	s13 =	spop (v2sf);
	[tilespmem:v3+s28+$0x0] =	vst.idx.msk $0xffff, v4;
	v3 =	vor.u32 v7, v6  }
0xbe: {  	v4 =	vld.idx.msk [tilespmem:v41+s12+$0x0], $0xffff;
	v3 =	vor.u32 v1, v3;
	s12 =	sand.u32 $0x7F, s13  }
0xbf: {  	s13 =	sadd.s32 $0xFFFFFFFA, s1;
	v44 =	vor.u32 s12, v0  }
0xc0: {  	(v2sf) =	vpush v2, $0xC;
	v45 =	vmov s13  }
0xc1: {  	v46 =	vshll.u32 v45, $0x3  }
0xc2: {  	v6 =	vand.u32 $0x79, v45;
	v7 =	vand.u32 $0xC00, v46  }
0xc3: {  	s12 =	sor.u32 $0x6A00, s10;
	s13 =	spop (v2sf);
	[tilespmem:v3+s28+$0x0] =	vst.idx.msk $0xffff, v4;
	v3 =	vor.u32 v7, v6  }
0xc4: {  	v4 =	vld.idx.msk [tilespmem:v44+s12+$0x0], $0xffff;
	v3 =	vor.u32 v1, v3;
	s12 =	sand.u32 $0x7F, s13  }
0xc5: {  	s13 =	sadd.s32 $0xFFFFFFFB, s1;
	v47 =	vor.u32 s12, v0  }
0xc6: {  	(v2sf) =	vpush v2, $0xD;
	v48 =	vmov s13  }
0xc7: {  	v49 =	vshll.u32 v48, $0x3  }
0xc8: {  	v6 =	vand.u32 $0x7A, v48;
	v7 =	vand.u32 $0xC00, v49  }
0xc9: {  	s12 =	sor.u32 $0x7200, s10;
	s13 =	spop (v2sf);
	[tilespmem:v3+s28+$0x0] =	vst.idx.msk $0xffff, v4;
	v3 =	vor.u32 v7, v6  }
0xca: {  	v4 =	vld.idx.msk [tilespmem:v47+s12+$0x0], $0xffff;
	v3 =	vor.u32 v1, v3;
	s12 =	sand.u32 $0x7F, s13  }
0xcb: {  	s13 =	sadd.s32 $0xFFFFFFFC, s1;
	v50 =	vor.u32 s12, v0  }
0xcc: {  	(v2sf) =	vpush v2, $0xE;
	v51 =	vmov s13  }
0xcd: {  	v52 =	vshll.u32 v51, $0x3  }
0xce: {  	v6 =	vand.u32 $0x7B, v51;
	v7 =	vand.u32 $0xC00, v52  }
0xcf: {  	s12 =	sor.u32 $0x7A00, s10;
	s13 =	spop (v2sf);
	[tilespmem:v3+s28+$0x0] =	vst.idx.msk $0xffff, v4;
	v3 =	vor.u32 v7, v6  }
0xd0: {  	s13 =	sand.u32 $0x7F, s13;
	v4 =	vld.idx.msk [tilespmem:v50+s12+$0x0], $0xffff;
	v3 =	vor.u32 v1, v3  }
0xd1: {  	v53 =	vor.u32 s13, v0;
	s12 =	sadd.s32 $0xFFFFFFFD, s1  }
0xd2: {  	(v2sf) =	vpush v2, $0xF;
	v54 =	vmov s12  }
0xd3: {  	v2 =	vshll.u32 v54, $0x3  }
0xd4: {  	v6 =	vand.u32 $0x7C, v54;
	v2 =	vand.u32 $0xC00, v2  }
0xd5: {  	s13 =	spop (v2sf);
	v2 =	vor.u32 v2, v6;
	[tilespmem:v3+s28+$0x0] =	vst.idx.msk $0xffff, v4  }
0xd6: {  	s11 =	sand.u32 $0x7F, s13;
	v2 =	vor.u32 v1, v2;
	v3 =	vld.idx.msk [tilespmem:v53+s10+$0x8200], $0xffff  }
0xd7: {  	v55 =	vor.u32 s11, v0;
	s12 =	sadd.s32 $0xFFFFFFFE, s1  }
0xd8: {  	v56 =	vmov s12  }
0xd9: {  	v57 =	vshll.u32 v56, $0x3  }
0xda: {  	v5 =	vand.u32 $0x7D, v56;
	v6 =	vand.u32 $0xC00, v57  }
0xdb: {  	s13 =	spop (v2sf);
	[tilespmem:v2+s28+$0x0] =	vst.idx.msk $0xffff, v3;
	v2 =	vor.u32 v6, v5  }
0xdc: {  	s11 =	sand.u32 $0x7F, s13;
	v3 =	vld.idx.msk [tilespmem:v55+s10+$0x8A00], $0xffff;
	v2 =	vor.u32 v1, v2  }
0xdd: {  	s12 =	sadd.s32 $0xFFFFFFFF, s1;
	v58 =	vor.u32 s11, v0  }
0xde: {  	v59 =	vmov s12  }
0xdf: {  	v60 =	vshll.u32 v59, $0x3  }
0xe0: {  	v5 =	vand.u32 $0x7E, v59;
	v6 =	vand.u32 $0xC00, v60  }
0xe1: {  	s13 =	spop (v2sf);
	[tilespmem:v2+s28+$0x0] =	vst.idx.msk $0xffff, v3;
	v2 =	vor.u32 v6, v5  }
0xe2: {  	s11 =	sand.u32 $0x7F, s13;
	v3 =	vld.idx.msk [tilespmem:v58+s10+$0x9200], $0xffff;
	v2 =	vor.u32 v1, v2  }
0xe3: {  	v61 =	vor.u32 s11, v0  }
0xe4: {  	v62 =	vmov s1  }
0xe5: {  	v63 =	vshll.u32 v62, $0x3  }
0xe6: {  	v5 =	vand.u32 $0x7F, v62;
	v6 =	vand.u32 $0xC00, v63  }
0xe7: {  	s1 =	sadd.s32 $0x10, s1;
	[tilespmem:v2+s28+$0x0] =	vst.idx.msk $0xffff, v3;
	v2 =	vor.u32 v6, v5  }
0xe8: {  	p0 =	sne.s32 s1, $0x20F;
	v3 =	vld.idx.msk [tilespmem:v61+s10+$0x9A00], $0xffff;
	v2 =	vor.u32 v1, v2  }
.Ltmp3:
0xe9: {  	_ = 	snop;
	(pc) =	sbr.rel @!p0 .LBB2_5-.Ltmp3, $2  }
0xea: {  	_ =	sdelay $0x2  }
0xeb: {  	s2 =	sadd.s32 $0x10, s2;
	s3 =	sadd.s32 $0x1, s3;
	[tilespmem:v2+s28+$0x0] =	vst.idx.msk $0xffff, v3  }
.LBB2_2:
0xec: {  	p0 =	seq.s32 s1, $0x1FF  }
.Ltmp4:
0xed: {  	_ = 	snop;
	(pc) =	sbr.rel @p0 .LBB2_4-.Ltmp4, $2  }
0xee: {  	_ =	sdelay $0x2  }
0xef: {  	s10 =	sand.u32 $0x1, s3  }
0xf0: {  	v2 =	vld [tilespmem:s2+$0x0];
	_ =	sdelay $0x4  }
0xf1: {  	(v2sf) =	vpush v2, $0x0;
	_ =	sdelay $0x3  }
0xf2: {  	(v2sf) =	vpush v2, $0x1;
	_ =	sdelay $0x3  }
0xf3: {  	(v2sf) =	vpush v2, $0x2;
	_ =	sdelay $0x3  }
0xf4: {  	(v2sf) =	vpush v2, $0x3;
	_ =	sdelay $0x2  }
0xf5: {  	s12 =	spop (v2sf)  }
0xf6: {  	s11 =	sshll.u32 s10, $0xF;
	(v2sf) =	vpush v2, $0x4;
	s12 =	sand.u32 $0xFFFFF80, s12  }
0xf7: {  	s13 =	sxor.u32 $0xA200, s11;
	s12 =	sadd.s32 s0, s12  }
0xf8: {  	[tilespmem:s13], [sflag:$0x1] =	stream.strided.gather [hbm4b:s12+s8], $0x800, s9, s8, $0x38;
	[tilespmem:$0x12200] =	vst v63  }
0xf9: {  	s13 =	spop (v2sf)  }
0xfa: {  	(v2sf) =	vpush v2, $0x5;
	s12 =	sand.u32 $0xFFFFF80, s13  }
0xfb: {  	s13 =	sxor.u32 $0xAA00, s11;
	s12 =	sadd.s32 s0, s12  }
0xfc: {  	[tilespmem:s13], [sflag:$0x1] =	stream.strided.gather [hbm4b:s12+s8], $0x800, s9, s8, $0x38;
	[tilespmem:$0x12200] =	vst v63  }
0xfd: {  	s13 =	spop (v2sf)  }
0xfe: {  	(v2sf) =	vpush v2, $0x6;
	s12 =	sand.u32 $0xFFFFF80, s13  }
0xff: {  	s13 =	sxor.u32 $0xB200, s11;
	s12 =	sadd.s32 s0, s12  }
0x100: {  	[tilespmem:s13], [sflag:$0x1] =	stream.strided.gather [hbm4b:s12+s8], $0x800, s9, s8, $0x38;
	[tilespmem:$0x12200] =	vst v63  }
0x101: {  	s13 =	spop (v2sf)  }
0x102: {  	(v2sf) =	vpush v2, $0x7;
	s12 =	sand.u32 $0xFFFFF80, s13  }
0x103: {  	s13 =	sxor.u32 $0xBA00, s11;
	s12 =	sadd.s32 s0, s12  }
0x104: {  	[tilespmem:s13], [sflag:$0x1] =	stream.strided.gather [hbm4b:s12+s8], $0x800, s9, s8, $0x38;
	[tilespmem:$0x12200] =	vst v63  }
0x105: {  	s13 =	spop (v2sf)  }
0x106: {  	(v2sf) =	vpush v2, $0x8;
	s12 =	sand.u32 $0xFFFFF80, s13  }
0x107: {  	s13 =	sxor.u32 $0xC200, s11;
	s12 =	sadd.s32 s0, s12  }
0x108: {  	[tilespmem:s13], [sflag:$0x1] =	stream.strided.gather [hbm4b:s12+s8], $0x800, s9, s8, $0x38;
	[tilespmem:$0x12200] =	vst v63  }
0x109: {  	s13 =	spop (v2sf)  }
0x10a: {  	(v2sf) =	vpush v2, $0x9;
	s12 =	sand.u32 $0xFFFFF80, s13  }
0x10b: {  	s13 =	sxor.u32 $0xCA00, s11;
	s12 =	sadd.s32 s0, s12  }
0x10c: {  	[tilespmem:s13], [sflag:$0x1] =	stream.strided.gather [hbm4b:s12+s8], $0x800, s9, s8, $0x38;
	[tilespmem:$0x12200] =	vst v63  }
0x10d: {  	s13 =	spop (v2sf)  }
0x10e: {  	(v2sf) =	vpush v2, $0xA;
	s12 =	sand.u32 $0xFFFFF80, s13  }
0x10f: {  	s13 =	sxor.u32 $0xD200, s11;
	s12 =	sadd.s32 s0, s12  }
0x110: {  	[tilespmem:s13], [sflag:$0x1] =	stream.strided.gather [hbm4b:s12+s8], $0x800, s9, s8, $0x38;
	[tilespmem:$0x12200] =	vst v63  }
0x111: {  	s13 =	spop (v2sf)  }
0x112: {  	(v2sf) =	vpush v2, $0xB;
	s12 =	sand.u32 $0xFFFFF80, s13  }
0x113: {  	s13 =	sxor.u32 $0xDA00, s11;
	s12 =	sadd.s32 s0, s12  }
0x114: {  	[tilespmem:s13], [sflag:$0x1] =	stream.strided.gather [hbm4b:s12+s8], $0x800, s9, s8, $0x38;
	[tilespmem:$0x12200] =	vst v63  }
0x115: {  	s13 =	spop (v2sf)  }
0x116: {  	(v2sf) =	vpush v2, $0xC;
	s12 =	sand.u32 $0xFFFFF80, s13  }
0x117: {  	s13 =	sxor.u32 $0xE200, s11;
	s12 =	sadd.s32 s0, s12  }
0x118: {  	[tilespmem:s13], [sflag:$0x1] =	stream.strided.gather [hbm4b:s12+s8], $0x800, s9, s8, $0x38;
	[tilespmem:$0x12200] =	vst v63  }
0x119: {  	s13 =	spop (v2sf)  }
0x11a: {  	(v2sf) =	vpush v2, $0xD;
	s12 =	sand.u32 $0xFFFFF80, s13  }
0x11b: {  	s13 =	sxor.u32 $0xEA00, s11;
	s12 =	sadd.s32 s0, s12  }
0x11c: {  	[tilespmem:s13], [sflag:$0x1] =	stream.strided.gather [hbm4b:s12+s8], $0x800, s9, s8, $0x38;
	[tilespmem:$0x12200] =	vst v63  }
0x11d: {  	s13 =	spop (v2sf)  }
0x11e: {  	(v2sf) =	vpush v2, $0xE;
	s12 =	sand.u32 $0xFFFFF80, s13  }
0x11f: {  	s13 =	sxor.u32 $0xF200, s11;
	s12 =	sadd.s32 s0, s12  }
0x120: {  	[tilespmem:s13], [sflag:$0x1] =	stream.strided.gather [hbm4b:s12+s8], $0x800, s9, s8, $0x38;
	[tilespmem:$0x12200] =	vst v63  }
0x121: {  	s13 =	spop (v2sf)  }
0x122: {  	s12 =	sand.u32 $0xFFFFF80, s13  }
0x123: {  	(v2sf) =	vpush v2, $0xF;
	s13 =	sxor.u32 $0xFA00, s11;
	s12 =	sadd.s32 s0, s12  }
0x124: {  	[tilespmem:s13], [sflag:$0x1] =	stream.strided.gather [hbm4b:s12+s8], $0x800, s9, s8, $0x38;
	[tilespmem:$0x12200] =	vst v63  }
0x125: {  	s13 =	spop (v2sf)  }
0x126: {  	s12 =	sand.u32 $0xFFFFF80, s13  }
0x127: {  	s13 =	ssub.s32 $0x10200, s11;
	s12 =	sadd.s32 s0, s12  }
0x128: {  	[tilespmem:s13], [sflag:$0x1] =	stream.strided.gather [hbm4b:s12+s8], $0x800, s9, s8, $0x38;
	[tilespmem:$0x12200] =	vst v63  }
0x129: {  	s13 =	spop (v2sf)  }
0x12a: {  	s12 =	sand.u32 $0xFFFFF80, s13  }
0x12b: {  	s13 =	ssub.s32 $0x10A00, s11;
	s12 =	sadd.s32 s0, s12  }
0x12c: {  	[tilespmem:s13], [sflag:$0x1] =	stream.strided.gather [hbm4b:s12+s8], $0x800, s9, s8, $0x38;
	[tilespmem:$0x12200] =	vst v63  }
0x12d: {  	s13 =	spop (v2sf)  }
0x12e: {  	s12 =	sand.u32 $0xFFFFF80, s13  }
0x12f: {  	s13 =	ssub.s32 $0x11200, s11;
	s12 =	sadd.s32 s0, s12  }
0x130: {  	[tilespmem:s13], [sflag:$0x1] =	stream.strided.gather [hbm4b:s12+s8], $0x800, s9, s8, $0x38;
	[tilespmem:$0x12200] =	vst v63  }
.Ltmp5:
0x131: {  	_ = 	snop;
	(pc) =	sbr.rel .LBB2_4-.Ltmp5, $4  }
0x132: {  	s13 =	spop (v2sf)  }
0x133: {  	s12 =	sand.u32 $0xFFFFF80, s13  }
0x134: {  	s11 =	ssub.s32 $0x11A00, s11;
	s12 =	sadd.s32 s0, s12  }
0x135: {  	[tilespmem:s11], [sflag:$0x1] =	stream.strided.gather [hbm4b:s12+s8], $0x800, s9, s8, $0x38;
	[tilespmem:$0x12200] =	vst v63  }
.LBB2_6:
0x136: {  	_ =	sfence.sel $0x180000  }
0x137: {  	[bflag:$0x0] =	sbarrier.arrive $0xFFFF  }
0x138: {  	_ =	strace $0x90000047  }
0x139: {  	s0 =	stileid.u32;
	[bflag:$0x2] =	sbarrier.arrive $0xFFFF  }
0x13a: {  	p0 =	sne.s32 s0, $0x0;
	s0 =	rddreg [dreg:$0x3]  }
0x13b: {  	s0 =	sadd.s32 @!p0 $0x100000, s0  }
0x13c: {  	[sflag:s0] =	ssyncadd.tile.s32 @!p0 $0x1;
	_ =	shalt  }
.Lfunc_end2:
_tile_overlayer_lowered:
.L_overlay_start_2:
0x13d: {  	(tag) =	ssettag $0x2  }
0x13e: {  	s0 =	rddreg [dreg:$0x0];
	s2 =	stileid.u32  }
0x13f: {  	s1 =	rddreg [dreg:$0x1];
	p0 =	sne.s32 s2, $0x0  }
0x140: {  	s3 =	rddreg [dreg:$0x2];
	[bflag:$0x3] =	sbarrier.arrive $0xFFFF;
	s2 =	simm.s32 @!p0 $0x1C02  }
0x141: {  	[timem:s3], [sflag:s2] =	dma.local @!p0 [hbm:s0], s1  }
0x142: {  	s0 =	simm.s32 @!p0 $0x2  }
0x143: {  	_ =	swait.ge @!p0 [sflag:s0], s1  }
0x144: {  	s1 =	ssub.s32 @!p0 $0x0, s1;
	[sflag:s0] =	ssyncset.done @!p0 $0x0  }
0x145: {  	[sflag:s0] =	ssyncadd.s32 @!p0 s1  }
0x146: {  	[bflag:$0x3] =	sbarrier.arrive $0xFFFF  }
0x147: {  	_ =	shalt  }

</sc_bundles>
